<compile_context>
chip_gen: v7x
topology: tpu7x:2x2x1
jax: 0.10.2.dev20260603
libtpu: 0.0.44.dev20260713+nightly
codegen_flags: <defaults>
</compile_context>

<pallas_src>
import functools
import math

import jax
import jax.numpy as jnp
from jax import lax
from jax.experimental import pallas as pl
from jax.experimental.pallas import tpu as pltpu
from jax.experimental.pallas import tpu_sc as plsc

NRG = 20
RMAX = 10.0
EF = 4
NH = 16


def _node_mlp_kernel(h_ref, w1_ref, b1_ref, g_ref, bb_ref, w2_ref, b2_ref, o_ref):
    y = jnp.dot(h_ref[...], w1_ref[...], preferred_element_type=jnp.float32)
    y = y + b1_ref[...]
    mu = jnp.mean(y, axis=-1, keepdims=True)
    var = jnp.mean((y - mu) ** 2, axis=-1, keepdims=True)
    y = (y - mu) * jax.lax.rsqrt(var + 1e-5) * g_ref[...] + bb_ref[...]
    y = jax.nn.relu(y)
    o_ref[...] = jnp.dot(y, w2_ref[...], preferred_element_type=jnp.float32) + b2_ref[...]


def _q_mlp(h, w1, b1, g, b, w2, b2):
    n, hid = h.shape
    tn = 400 if n % 400 == 0 else 128
    grid = pl.cdiv(n, tn)
    full = lambda r, c: pl.BlockSpec((r, c), lambda i: (0, 0))
    return pl.pallas_call(
        _node_mlp_kernel,
        grid=(grid,),
        in_specs=[
            pl.BlockSpec((tn, hid), lambda i: (i, 0)),
            full(hid, hid), full(1, hid), full(1, hid), full(1, hid),
            full(hid, hid), full(1, hid),
        ],
        out_specs=pl.BlockSpec((tn, hid), lambda i: (i, 0)),
        out_shape=jax.ShapeDtypeStruct((n, hid), jnp.float32),
    )(h, w1, b1.reshape(1, -1), g.reshape(1, -1), b.reshape(1, -1),
      w2, b2.reshape(1, -1))


def _edge_kernel(hd_ref, qd_ref, xd_ref, hs_ref, xs_ref, et_ref, ew_ref,
                 w1hd_ref, w1hs_ref, w1et_ref, w1rf_ref, etx_ref, b1_ref,
                 g_ref, bb_ref, w2_ref, b2_ref, bd_ref, om_ref, oe_ref, *, hid):
    coeff = -0.5 / (RMAX / (NRG - 1)) ** 2
    hi = hd_ref[...].astype(jnp.bfloat16)
    qd = qd_ref[...]
    hj = hs_ref[...].astype(jnp.bfloat16)
    diff = xd_ref[:, 0:16] - xs_ref[:, 0:16]
    ones80 = jnp.ones((16, EF * NRG), jnp.float32)
    d2b = jnp.dot(diff * diff, ones80, preferred_element_type=jnp.float32)
    d80 = jnp.sqrt(d2b + 1e-12)
    offs = (jax.lax.broadcasted_iota(jnp.int32, (1, EF * NRG), 1) % NRG
            ).astype(jnp.float32) * (RMAX / (NRG - 1))
    rf80 = jnp.exp(coeff * (d80 - offs) ** 2)
    et = et_ref[...]
    etb = jnp.dot(et, etx_ref[...], preferred_element_type=jnp.float32)
    etrf = rf80 * etb
    y = jnp.dot(hi, w1hd_ref[...], preferred_element_type=jnp.float32)
    y = y + jnp.dot(hj, w1hs_ref[...], preferred_element_type=jnp.float32)
    y = y + jnp.dot(et.astype(jnp.bfloat16), w1et_ref[...],
                    preferred_element_type=jnp.float32)
    y = y + jnp.dot(etrf.astype(jnp.bfloat16), w1rf_ref[...],
                    preferred_element_type=jnp.float32)
    y = y + b1_ref[...]
    yk = y[:, :hid]
    yv = y[:, hid:]

    def ln(z):
        mu = jnp.mean(z, axis=-1, keepdims=True)
        var = jnp.mean((z - mu) ** 2, axis=-1, keepdims=True)
        return (z - mu) * jax.lax.rsqrt(var + 1e-5)

    y = jnp.concatenate([ln(yk), ln(yv)], axis=1) * g_ref[...] + bb_ref[...]
    y = jax.nn.relu(y)
    kv = jnp.dot(y.astype(jnp.bfloat16), w2_ref[...],
                 preferred_element_type=jnp.float32) + b2_ref[...]
    k = kv[:, :hid]
    v = kv[:, hid:] * ew_ref[...]
    hd = hid // NH
    qk = (qd * k).astype(jnp.bfloat16)
    s = jnp.dot(qk, bd_ref[...], preferred_element_type=jnp.float32)
    ex = jnp.exp(s * (1.0 / math.sqrt(hd)))
    om_ref[...] = ex * v
    oe_ref[...] = ex


def _edge_pass(hd, qd, xd, hs, xs, edge_type, e_w, w1hd, w1hs, w1et, w1rf,
               etx, b1, g, bb, w2, b2, bd, hid):
    e = hd.shape[0]
    t = 1280 if e % 1280 == 0 else 128
    grid = pl.cdiv(e, t)
    full = lambda r, c: pl.BlockSpec((r, c), lambda i: (0, 0))
    return pl.pallas_call(
        functools.partial(_edge_kernel, hid=hid),
        grid=(grid,),
        in_specs=[
            pl.BlockSpec((t, hid), lambda i: (i, 0)),
            pl.BlockSpec((t, hid), lambda i: (i, 0)),
            pl.BlockSpec((t, hid), lambda i: (i, 0)),
            pl.BlockSpec((t, hid), lambda i: (i, 0)),
            pl.BlockSpec((t, hid), lambda i: (i, 0)),
            pl.BlockSpec((t, EF), lambda i: (i, 0)),
            pl.BlockSpec((t, 1), lambda i: (i, 0)),
            full(hid, 2 * hid), full(hid, 2 * hid),
            full(EF, 2 * hid), full(EF * NRG, 2 * hid),
            full(EF, EF * NRG),
            full(1, 2 * hid), full(1, 2 * hid), full(1, 2 * hid),
            full(2 * hid, 2 * hid), full(1, 2 * hid),
            full(hid, hid),
        ],
        out_specs=[pl.BlockSpec((t, hid), lambda i: (i, 0)),
                   pl.BlockSpec((t, hid), lambda i: (i, 0))],
        out_shape=[jax.ShapeDtypeStruct((e, hid), jnp.float32),
                   jax.ShapeDtypeStruct((e, hid), jnp.float32)],
    )(hd, qd, xd, hs, xs, edge_type, e_w, w1hd, w1hs, w1et, w1rf, etx,
      b1, g, bb, w2, b2, bd)


def _sc_gather(h, q, xpad, dst, src):
    e = dst.shape[0]
    hid = h.shape[1]
    nc, ns = 2, 16
    nw = nc * ns
    per_w = e // nw
    cb = 40
    n_chunks = per_w // cb
    n2 = n_chunks // 2
    mesh = plsc.VectorSubcoreMesh(core_axis_name="c", subcore_axis_name="s")

    @functools.partial(
        pl.kernel, mesh=mesh,
        out_type=[jax.ShapeDtypeStruct((e, hid), jnp.float32)
                  for _ in range(5)],
        scratch_types=(
            [pltpu.VMEM((per_w,), jnp.int32)] * 2
            + [pltpu.VMEM((cb, 128), jnp.float32)] * 10
            + [pltpu.SemaphoreType.DMA] * 2
        ),
    )
    def body(h_hbm, q_hbm, x_hbm, dst_hbm, src_hbm,
             hd_hbm, qd_hbm, xd_hbm, hs_hbm, xs_hbm,
             idxd_v, idxs_v,
             hd_a, qd_a, xd_a, hs_a, xs_a,
             hd_b, qd_b, xd_b, hs_b, xs_b,
             sem_a, sem_b):
        c = lax.axis_index("c")
        s = lax.axis_index("s")
        wid = c * ns + s
        base_e = wid * per_w
        pltpu.sync_copy(dst_hbm.at[pl.ds(base_e, per_w)], idxd_v)
        pltpu.sync_copy(src_hbm.at[pl.ds(base_e, per_w)], idxs_v)

        def fire(i, bufs, sem):
            di = idxd_v.at[pl.ds(i * cb, cb)]
            si = idxs_v.at[pl.ds(i * cb, cb)]
            pltpu.async_copy(h_hbm.at[di], bufs[0], sem)
            pltpu.async_copy(q_hbm.at[di], bufs[1], sem)
            pltpu.async_copy(x_hbm.at[di], bufs[2], sem)
            pltpu.async_copy(h_hbm.at[si], bufs[3], sem)
            pltpu.async_copy(x_hbm.at[si], bufs[4], sem)

        def drain(i, bufs, sem):
            for b in range(5):
                pltpu.make_async_copy(h_hbm.at[pl.ds(0, cb)], bufs[b],
                                      sem).wait()
            off = base_e + i * cb
            outs = (hd_hbm, qd_hbm, xd_hbm, hs_hbm, xs_hbm)
            for b in range(5):
                pltpu.sync_copy(bufs[b], outs[b].at[pl.ds(off, cb)])

        bufs_a = (hd_a, qd_a, xd_a, hs_a, xs_a)
        bufs_b = (hd_b, qd_b, xd_b, hs_b, xs_b)
        fire(0, bufs_a, sem_a)

        def step(j, carry):
            fire(2 * j + 1, bufs_b, sem_b)
            drain(2 * j, bufs_a, sem_a)

            @pl.when(j < n2 - 1)
            def _():
                fire(2 * j + 2, bufs_a, sem_a)

            drain(2 * j + 1, bufs_b, sem_b)
            return carry

        lax.fori_loop(0, n2, step, 0)

    return body(h, q, xpad, dst, src)


def _sc_scatter(m, exs, dst, n, hid):
    e = m.shape[0]
    ns = 16
    per_w = e // ns
    cb = 80
    n_chunks = per_w // cb
    n2 = n_chunks // 2
    npad = ((n + 127) // 128) * 128
    rpt = npad // ns
    zeros = jnp.zeros((npad, hid), jnp.float32)
    mesh = plsc.VectorSubcoreMesh(core_axis_name="c", subcore_axis_name="s")

    @functools.partial(
        pl.kernel, mesh=mesh,
        out_type=jax.ShapeDtypeStruct((2, npad, hid), jnp.float32),
        scratch_types=[
            pltpu.VMEM((cb,), jnp.int32),
            pltpu.VMEM((cb,), jnp.int32),
            pltpu.VMEM((cb, hid), jnp.float32),
            pltpu.VMEM((cb, hid), jnp.float32),
            pltpu.VMEM_SHARED((npad, hid), jnp.float32),
            pltpu.SemaphoreType.DMA,
            pltpu.SemaphoreType.DMA,
        ],
    )
    def body(m_hbm, exs_hbm, dst_hbm, z_hbm, out_hbm, idx_a, idx_b,
             rows_a, rows_b, acc_sh, sem_a, sem_b):
        c = lax.axis_index("c")
        s = lax.axis_index("s")
        base_e = s * per_w
        pltpu.sync_copy(z_hbm.at[pl.ds(s * rpt, rpt)], acc_sh.at[pl.ds(s * rpt, rpt)])
        plsc.subcore_barrier()

        def run(payload_hbm):
            def fire(i, idx_v, rows_v, sem):
                off = base_e + i * cb
                pltpu.async_copy(dst_hbm.at[pl.ds(off, cb)], idx_v, sem)
                pltpu.async_copy(payload_hbm.at[pl.ds(off, cb)], rows_v, sem)

            def proc(idx_v, rows_v, sem):
                pltpu.make_async_copy(dst_hbm.at[pl.ds(0, cb)], idx_v,
                                      sem).wait()
                pltpu.make_async_copy(payload_hbm.at[pl.ds(0, cb)], rows_v,
                                      sem).wait()
                pltpu.sync_copy(rows_v, acc_sh.at[idx_v], add=True)

            fire(0, idx_a, rows_a, sem_a)

            def step(j, carry):
                fire(2 * j + 1, idx_b, rows_b, sem_b)
                proc(idx_a, rows_a, sem_a)

                @pl.when(j < n2 - 1)
                def _():
                    fire(2 * j + 2, idx_a, rows_a, sem_a)

                proc(idx_b, rows_b, sem_b)
                return carry

            lax.fori_loop(0, n2, step, 0)

        @pl.when(c == 0)
        def _():
            run(m_hbm)

        @pl.when(c == 1)
        def _():
            run(exs_hbm)

        plsc.subcore_barrier()
        pltpu.sync_copy(acc_sh.at[pl.ds(s * rpt, rpt)],
                        out_hbm.at[c].at[pl.ds(s * rpt, rpt)])

    return body(m, exs, dst, zeros)


def kernel(x, h, edge_type, edge_index, e_w, gen_flag,
           hq_w1, hq_b1, hq_ln_g, hq_ln_b, hq_w2, hq_b2,
           hk_w1, hk_b1, hk_ln_g, hk_ln_b, hk_w2, hk_b2,
           hv_w1, hv_b1, hv_ln_g, hv_ln_b, hv_w2, hv_b2):
    n, hid = h.shape
    hd = hid // NH
    src = edge_index[0].astype(jnp.int32)
    dst = edge_index[1].astype(jnp.int32)

    rs = EF + EF * NRG
    w1hd = jnp.concatenate([hk_w1[rs:rs + hid], hv_w1[rs:rs + hid]],
                           axis=1).astype(jnp.bfloat16)
    w1hs = jnp.concatenate([hk_w1[rs + hid:], hv_w1[rs + hid:]],
                           axis=1).astype(jnp.bfloat16)
    w1et = jnp.concatenate([hk_w1[0:EF], hv_w1[0:EF]], axis=1).astype(jnp.bfloat16)
    w1rf = jnp.concatenate([hk_w1[EF:rs], hv_w1[EF:rs]], axis=1).astype(jnp.bfloat16)
    b1 = jnp.concatenate([hk_b1, hv_b1]).reshape(1, -1)
    g = jnp.concatenate([hk_ln_g, hv_ln_g]).reshape(1, -1)
    bb = jnp.concatenate([hk_ln_b, hv_ln_b]).reshape(1, -1)
    zero = jnp.zeros((hid, hid), jnp.float32)
    w2 = jnp.concatenate([
        jnp.concatenate([hk_w2, zero], axis=1),
        jnp.concatenate([zero, hv_w2], axis=1),
    ], axis=0).astype(jnp.bfloat16)
    b2 = jnp.concatenate([hk_b2, hv_b2]).reshape(1, -1)
    bd = (jax.lax.broadcasted_iota(jnp.int32, (hid, hid), 0) // hd ==
          jax.lax.broadcasted_iota(jnp.int32, (hid, hid), 1) // hd
          ).astype(jnp.bfloat16)
    etx = (jax.lax.broadcasted_iota(jnp.int32, (EF, EF * NRG), 0) ==
           jax.lax.broadcasted_iota(jnp.int32, (EF, EF * NRG), 1) // NRG
           ).astype(jnp.float32)

    q = _q_mlp(h, hq_w1, hq_b1, hq_ln_g, hq_ln_b, hq_w2, hq_b2)

    xpad = jnp.pad(x, ((0, 0), (0, hid - x.shape[1])))
    hd, qdg, xd, hs, xs = _sc_gather(h, q, xpad, dst, src)

    m, exs = _edge_pass(hd, qdg, xd, hs, xs, edge_type, e_w, w1hd, w1hs,
                        w1et, w1rf, etx, b1, g, bb, w2, b2, bd, hid)

    parts = _sc_scatter(m, exs, dst, n, hid)
    num = parts[0, :n]
    den = parts[1, :n]
    out = num / (den + 1e-16) + h
    return out

# --- scband reference (transcript-rebuilt; emitter-appended) ---
"""Pipeline reference for scband-inv-attention-layer-66864050864771 (READ-ONLY COPY).

The authoritative reference and input builder live on the scoring server;
editing this copy changes nothing except your own understanding.
"""

import jax, jax.numpy as jnp
import numpy as np

N = 10000
E = 320000
HID = 128
NH = 16
HD = HID // NH
NRG = 20
RMAX = 10.0
EF = 4
KV_IN = EF + EF * NRG + 2 * HID


def _mlp(x, w1, b1, g, b, w2, b2):
    y = x @ w1 + b1
    mu = jnp.mean(y, axis=-1, keepdims=True)
    var = jnp.var(y, axis=-1, keepdims=True)
    y = (y - mu) / jnp.sqrt(var + 1e-5) * g + b
    y = jax.nn.relu(y)
    return y @ w2 + b2


def _gauss(d):
    offset = jnp.linspace(0.0, RMAX, NRG)
    coeff = -0.5 / (offset[1] - offset[0]) ** 2
    return jnp.exp(coeff * (d - offset[None, :]) ** 2)


def _scatter_softmax(logits, seg, n):
    smax = jax.ops.segment_max(logits, seg, num_segments=n)
    smax = jnp.where(jnp.isfinite(smax), smax, 0.0)
    ex = jnp.exp(logits - smax[seg])
    den = jax.ops.segment_sum(ex, seg, num_segments=n)
    return ex / (den[seg] + 1e-16)


def _init_mlp(key, in_dim, hid, out):
    k1, k2 = jax.random.split(key)
    return (jax.random.normal(k1, (in_dim, hid), jnp.float32) * 0.02,
            jnp.zeros((hid,), jnp.float32),
            jnp.ones((hid,), jnp.float32),
            jnp.zeros((hid,), jnp.float32),
            jax.random.normal(k2, (hid, out), jnp.float32) * 0.02,
            jnp.zeros((out,), jnp.float32))


def setup_inputs(seed: int = 0):
    key = jax.random.key(seed)
    ks = jax.random.split(key, 10)
    inp = {}
    inp['x'] = jax.random.normal(ks[0], (N, 3), jnp.float32) * 3.0
    inp['h'] = jax.random.normal(ks[1], (N, HID), jnp.float32)
    inp['edge_type'] = jax.random.uniform(ks[2], (E, EF), jnp.float32)
    inp['edge_index'] = jax.random.randint(ks[3], (2, E), 0, N).astype(jnp.int64)
    inp['e_w'] = jax.random.uniform(ks[4], (E, 1), jnp.float32)
    inp['gen_flag'] = jnp.zeros((N,), jnp.bool_)
    for name, kk, ind in (('hq', ks[5], HID), ('hk', ks[6], KV_IN), ('hv', ks[7], KV_IN)):
        w1, b1, g, b, w2, b2 = _init_mlp(kk, ind, HID, HID)
        inp[name + '_w1'] = w1
        inp[name + '_b1'] = b1
        inp[name + '_ln_g'] = g
        inp[name + '_ln_b'] = b
        inp[name + '_w2'] = w2
        inp[name + '_b2'] = b2
    return inp


def _forward(x, h, edge_type, edge_index, e_w,
             hq_w1, hq_b1, hq_ln_g, hq_ln_b, hq_w2, hq_b2,
             hk_w1, hk_b1, hk_ln_g, hk_ln_b, hk_w2, hk_b2,
             hv_w1, hv_b1, hv_ln_g, hv_ln_b, hv_w2, hv_b2):
    src = edge_index[0]
    dst = edge_index[1]
    hi = h[dst]
    hj = h[src]
    diff = x[dst] - x[src]
    d = jnp.sqrt(jnp.sum(diff * diff, axis=-1, keepdims=True) + 1e-12)
    rf = _gauss(d)
    r_feat = (edge_type[:, :, None] * rf[:, None, :]).reshape(E, EF * NRG)
    kv_in = jnp.concatenate([edge_type, r_feat, hi, hj], axis=-1)
    k = _mlp(kv_in, hk_w1, hk_b1, hk_ln_g, hk_ln_b, hk_w2, hk_b2).reshape(E, NH, HD)
    v = _mlp(kv_in, hv_w1, hv_b1, hv_ln_g, hv_ln_b, hv_w2, hv_b2)
    v = v * e_w.reshape(-1, 1)
    v = v.reshape(E, NH, HD)
    q = _mlp(h, hq_w1, hq_b1, hq_ln_g, hq_ln_b, hq_w2, hq_b2).reshape(N, NH, HD)
    logits = jnp.sum(q[dst] * k, axis=-1) / np.sqrt(HD)
    alpha = _scatter_softmax(logits, dst, N)
    m = alpha[:, :, None] * v
    out = jax.ops.segment_sum(m, dst, num_segments=N).reshape(N, HID)
    return out + h


def reference(x, h, edge_type, edge_index, e_w, gen_flag,
              hq_w1, hq_b1, hq_ln_g, hq_ln_b, hq_w2, hq_b2,
              hk_w1, hk_b1, hk_ln_g, hk_ln_b, hk_w2, hk_b2,
              hv_w1, hv_b1, hv_ln_g, hv_ln_b, hv_w2, hv_b2):
    # num_x2h = 1: single X2HAttention layer; gen_flag unused (matches original forward)
    return _forward(x, h, edge_type, edge_index, e_w,
                    hq_w1, hq_b1, hq_ln_g, hq_ln_b, hq_w2, hq_b2,
                    hk_w1, hk_b1, hk_ln_g, hk_ln_b, hk_w2, hk_b2,
                    hv_w1, hv_b1, hv_ln_g, hv_ln_b, hv_w2, hv_b2)

if __name__ == "__main__":
    import jax
    _d = setup_inputs()
    print(jax.jit(kernel)(*tuple(_d.values())))

</pallas_src>

<mosaic_0001>
#map = affine_map<(d0, d1) -> (0, 0)>
#map1 = affine_map<(d0, d1) -> (0)>
module attributes {stable_mosaic.version = 14 : i64} {
  func.func @body(%arg0: i32, %arg1: i32, %arg2: memref<10000x128xf32, #tpu.memory_space<hbm>>, %arg3: memref<10000x128xf32, #tpu.memory_space<hbm>>, %arg4: memref<10000x128xf32, #tpu.memory_space<hbm>>, %arg5: memref<320000xi32, #tpu.memory_space<hbm>>, %arg6: memref<320000xi32, #tpu.memory_space<hbm>>, %arg7: memref<320000x128xf32, #tpu.memory_space<hbm>>, %arg8: memref<320000x128xf32, #tpu.memory_space<hbm>>, %arg9: memref<320000x128xf32, #tpu.memory_space<hbm>>, %arg10: memref<320000x128xf32, #tpu.memory_space<hbm>>, %arg11: memref<320000x128xf32, #tpu.memory_space<hbm>>, %arg12: memref<10000xi32, #tpu.memory_space<vmem>>, %arg13: memref<10000xi32, #tpu.memory_space<vmem>>, %arg14: memref<40x128xf32, #tpu.memory_space<vmem>>, %arg15: memref<40x128xf32, #tpu.memory_space<vmem>>, %arg16: memref<40x128xf32, #tpu.memory_space<vmem>>, %arg17: memref<40x128xf32, #tpu.memory_space<vmem>>, %arg18: memref<40x128xf32, #tpu.memory_space<vmem>>, %arg19: memref<40x128xf32, #tpu.memory_space<vmem>>, %arg20: memref<40x128xf32, #tpu.memory_space<vmem>>, %arg21: memref<40x128xf32, #tpu.memory_space<vmem>>, %arg22: memref<40x128xf32, #tpu.memory_space<vmem>>, %arg23: memref<40x128xf32, #tpu.memory_space<vmem>>, %arg24: memref<!tpu.dma_semaphore, #tpu.memory_space<semaphore_mem>>, %arg25: memref<!tpu.dma_semaphore, #tpu.memory_space<semaphore_mem>>) attributes {dimension_semantics = [#tpu.dimension_semantics<core_parallel>, #tpu.dimension_semantics<subcore_parallel>], iteration_bounds = array<i64: 2, 16>, scalar_prefetch = 0 : i64, scratch_operands = 14 : i64, tpu.core_type = #tpu.core_type<sc_vector_subcore>, window_params = [{transform_indices = #map}, {transform_indices = #map}, {transform_indices = #map}, {transform_indices = #map1}, {transform_indices = #map1}, {transform_indices = #map}, {transform_indices = #map}, {transform_indices = #map}, {transform_indices = #map}, {transform_indices = #map}]} {
    %mul3A = arith.constant 16 : i32
    %mul3A_0 = arith.muli %arg0, %mul3A : i32
    %add3A = arith.addi %mul3A_0, %arg1 : i32
    %mul3A_1 = arith.constant 10000 : i32
    %mul3A_2 = arith.muli %add3A, %mul3A_1 : i32
    "tpu.region"() ({
      %run_scoped3A = tpu.sem_alloc : memref<!tpu.dma_semaphore, #tpu.memory_space<semaphore_mem>>
      %dma_start3A_32 = tpu.memref_slice %arg5[%mul3A_2] : memref<320000xi32, #tpu.memory_space<hbm>> -> memref<10000xi32, #tpu.memory_space<hbm>>
      %dma_start3A_33 = tpu.memref_slice %arg5[%mul3A_2] : memref<320000xi32, #tpu.memory_space<hbm>> -> memref<10000xi32, #tpu.memory_space<hbm>>
      tpu.enqueue_dma source(%dma_start3A_33 : memref<10000xi32, #tpu.memory_space<hbm>>) target(%arg12 : memref<10000xi32, #tpu.memory_space<vmem>>) target_semaphore(%run_scoped3A : memref<!tpu.dma_semaphore, #tpu.memory_space<semaphore_mem>>)
      %dma_wait3A = tpu.memref_slice %arg5[%mul3A_2] : memref<320000xi32, #tpu.memory_space<hbm>> -> memref<10000xi32, #tpu.memory_space<hbm>>
      %dma_wait3A_34 = tpu.memref_slice %arg5[%mul3A_2] : memref<320000xi32, #tpu.memory_space<hbm>> -> memref<10000xi32, #tpu.memory_space<hbm>>
      tpu.wait_dma2 semaphore(%run_scoped3A : memref<!tpu.dma_semaphore, #tpu.memory_space<semaphore_mem>>) src(%dma_wait3A_34 : memref<10000xi32, #tpu.memory_space<hbm>>) dst(%arg12 : memref<10000xi32, #tpu.memory_space<vmem>>)
      tpu.yield
    }) : () -> ()
    "tpu.region"() ({
      %run_scoped3A = tpu.sem_alloc : memref<!tpu.dma_semaphore, #tpu.memory_space<semaphore_mem>>
      %dma_start3A_32 = tpu.memref_slice %arg6[%mul3A_2] : memref<320000xi32, #tpu.memory_space<hbm>> -> memref<10000xi32, #tpu.memory_space<hbm>>
      %dma_start3A_33 = tpu.memref_slice %arg6[%mul3A_2] : memref<320000xi32, #tpu.memory_space<hbm>> -> memref<10000xi32, #tpu.memory_space<hbm>>
      tpu.enqueue_dma source(%dma_start3A_33 : memref<10000xi32, #tpu.memory_space<hbm>>) target(%arg13 : memref<10000xi32, #tpu.memory_space<vmem>>) target_semaphore(%run_scoped3A : memref<!tpu.dma_semaphore, #tpu.memory_space<semaphore_mem>>)
      %dma_wait3A = tpu.memref_slice %arg6[%mul3A_2] : memref<320000xi32, #tpu.memory_space<hbm>> -> memref<10000xi32, #tpu.memory_space<hbm>>
      %dma_wait3A_34 = tpu.memref_slice %arg6[%mul3A_2] : memref<320000xi32, #tpu.memory_space<hbm>> -> memref<10000xi32, #tpu.memory_space<hbm>>
      tpu.wait_dma2 semaphore(%run_scoped3A : memref<!tpu.dma_semaphore, #tpu.memory_space<semaphore_mem>>) src(%dma_wait3A_34 : memref<10000xi32, #tpu.memory_space<hbm>>) dst(%arg13 : memref<10000xi32, #tpu.memory_space<vmem>>)
      tpu.yield
    }) : () -> ()
    %dma_start3A = arith.constant 0 : i32
    %dma_start3A_3 = tpu.memref_slice %arg12[%dma_start3A] : memref<10000xi32, #tpu.memory_space<vmem>> -> memref<40xi32, #tpu.memory_space<vmem>>
    %dma_start3A_4 = arith.constant 0 : i32
    %dma_start3A_5 = arith.constant 0 : i32
    %dma_start3A_6 = tpu.memref_slice %arg2[%dma_start3A_4, %dma_start3A_5] : memref<10000x128xf32, #tpu.memory_space<hbm>> -> memref<10000x128xf32, #tpu.memory_space<hbm>>
    tpu.enqueue_indirect_dma source(%dma_start3A_6 : memref<10000x128xf32, #tpu.memory_space<hbm>>) target(%arg14 : memref<40x128xf32, #tpu.memory_space<vmem>>) offsets(%dma_start3A_3 : memref<40xi32, #tpu.memory_space<vmem>>) semaphore(%arg24 : memref<!tpu.dma_semaphore, #tpu.memory_space<semaphore_mem>>)
    %dma_start3A_7 = arith.constant 0 : i32
    %dma_start3A_8 = tpu.memref_slice %arg12[%dma_start3A_7] : memref<10000xi32, #tpu.memory_space<vmem>> -> memref<40xi32, #tpu.memory_space<vmem>>
    %dma_start3A_9 = arith.constant 0 : i32
    %dma_start3A_10 = arith.constant 0 : i32
    %dma_start3A_11 = tpu.memref_slice %arg3[%dma_start3A_9, %dma_start3A_10] : memref<10000x128xf32, #tpu.memory_space<hbm>> -> memref<10000x128xf32, #tpu.memory_space<hbm>>
    tpu.enqueue_indirect_dma source(%dma_start3A_11 : memref<10000x128xf32, #tpu.memory_space<hbm>>) target(%arg15 : memref<40x128xf32, #tpu.memory_space<vmem>>) offsets(%dma_start3A_8 : memref<40xi32, #tpu.memory_space<vmem>>) semaphore(%arg24 : memref<!tpu.dma_semaphore, #tpu.memory_space<semaphore_mem>>)
    %dma_start3A_12 = arith.constant 0 : i32
    %dma_start3A_13 = tpu.memref_slice %arg12[%dma_start3A_12] : memref<10000xi32, #tpu.memory_space<vmem>> -> memref<40xi32, #tpu.memory_space<vmem>>
    %dma_start3A_14 = arith.constant 0 : i32
    %dma_start3A_15 = arith.constant 0 : i32
    %dma_start3A_16 = tpu.memref_slice %arg4[%dma_start3A_14, %dma_start3A_15] : memref<10000x128xf32, #tpu.memory_space<hbm>> -> memref<10000x128xf32, #tpu.memory_space<hbm>>
    tpu.enqueue_indirect_dma source(%dma_start3A_16 : memref<10000x128xf32, #tpu.memory_space<hbm>>) target(%arg16 : memref<40x128xf32, #tpu.memory_space<vmem>>) offsets(%dma_start3A_13 : memref<40xi32, #tpu.memory_space<vmem>>) semaphore(%arg24 : memref<!tpu.dma_semaphore, #tpu.memory_space<semaphore_mem>>)
    %dma_start3A_17 = arith.constant 0 : i32
    %dma_start3A_18 = tpu.memref_slice %arg13[%dma_start3A_17] : memref<10000xi32, #tpu.memory_space<vmem>> -> memref<40xi32, #tpu.memory_space<vmem>>
    %dma_start3A_19 = arith.constant 0 : i32
    %dma_start3A_20 = arith.constant 0 : i32
    %dma_start3A_21 = tpu.memref_slice %arg2[%dma_start3A_19, %dma_start3A_20] : memref<10000x128xf32, #tpu.memory_space<hbm>> -> memref<10000x128xf32, #tpu.memory_space<hbm>>
    tpu.enqueue_indirect_dma source(%dma_start3A_21 : memref<10000x128xf32, #tpu.memory_space<hbm>>) target(%arg17 : memref<40x128xf32, #tpu.memory_space<vmem>>) offsets(%dma_start3A_18 : memref<40xi32, #tpu.memory_space<vmem>>) semaphore(%arg24 : memref<!tpu.dma_semaphore, #tpu.memory_space<semaphore_mem>>)
    %dma_start3A_22 = arith.constant 0 : i32
    %dma_start3A_23 = tpu.memref_slice %arg13[%dma_start3A_22] : memref<10000xi32, #tpu.memory_space<vmem>> -> memref<40xi32, #tpu.memory_space<vmem>>
    %dma_start3A_24 = arith.constant 0 : i32
    %dma_start3A_25 = arith.constant 0 : i32
    %dma_start3A_26 = tpu.memref_slice %arg4[%dma_start3A_24, %dma_start3A_25] : memref<10000x128xf32, #tpu.memory_space<hbm>> -> memref<10000x128xf32, #tpu.memory_space<hbm>>
    tpu.enqueue_indirect_dma source(%dma_start3A_26 : memref<10000x128xf32, #tpu.memory_space<hbm>>) target(%arg18 : memref<40x128xf32, #tpu.memory_space<vmem>>) offsets(%dma_start3A_23 : memref<40xi32, #tpu.memory_space<vmem>>) semaphore(%arg24 : memref<!tpu.dma_semaphore, #tpu.memory_space<semaphore_mem>>)
    %scan3A = arith.constant 0 : i32
    %scan3A_27 = arith.constant 0 : i32
    %scan3A_28 = arith.constant 125 : i32
    %scan3A_29 = arith.addi %scan3A_27, %scan3A_28 : i32
    %scan3A_30 = arith.constant 1 : i32
    scf.for %scan3A_32 = %scan3A_27 to %scan3A_29 step %scan3A_30  : i32 {
      %mul3A_33 = arith.constant 2 : i32
      %mul3A_34 = arith.muli %mul3A_33, %scan3A_32 : i32
      %add3A_35 = arith.constant 1 : i32
      %add3A_36 = arith.addi %mul3A_34, %add3A_35 : i32
      %mul3A_37 = arith.constant 40 : i32
      %mul3A_38 = arith.muli %add3A_36, %mul3A_37 : i32
      %mul3A_39 = arith.constant 40 : i32
      %mul3A_40 = arith.muli %add3A_36, %mul3A_39 : i32
      %dma_start3A_41 = tpu.memref_slice %arg12[%mul3A_38] : memref<10000xi32, #tpu.memory_space<vmem>> -> memref<40xi32, #tpu.memory_space<vmem>>
      %dma_start3A_42 = arith.constant 0 : i32
      %dma_start3A_43 = arith.constant 0 : i32
      %dma_start3A_44 = tpu.memref_slice %arg2[%dma_start3A_42, %dma_start3A_43] : memref<10000x128xf32, #tpu.memory_space<hbm>> -> memref<10000x128xf32, #tpu.memory_space<hbm>>
      tpu.enqueue_indirect_dma source(%dma_start3A_44 : memref<10000x128xf32, #tpu.memory_space<hbm>>) target(%arg19 : memref<40x128xf32, #tpu.memory_space<vmem>>) offsets(%dma_start3A_41 : memref<40xi32, #tpu.memory_space<vmem>>) semaphore(%arg25 : memref<!tpu.dma_semaphore, #tpu.memory_space<semaphore_mem>>)
      %dma_start3A_45 = tpu.memref_slice %arg12[%mul3A_38] : memref<10000xi32, #tpu.memory_space<vmem>> -> memref<40xi32, #tpu.memory_space<vmem>>
      %dma_start3A_46 = arith.constant 0 : i32
      %dma_start3A_47 = arith.constant 0 : i32
      %dma_start3A_48 = tpu.memref_slice %arg3[%dma_start3A_46, %dma_start3A_47] : memref<10000x128xf32, #tpu.memory_space<hbm>> -> memref<10000x128xf32, #tpu.memory_space<hbm>>
      tpu.enqueue_indirect_dma source(%dma_start3A_48 : memref<10000x128xf32, #tpu.memory_space<hbm>>) target(%arg20 : memref<40x128xf32, #tpu.memory_space<vmem>>) offsets(%dma_start3A_45 : memref<40xi32, #tpu.memory_space<vmem>>) semaphore(%arg25 : memref<!tpu.dma_semaphore, #tpu.memory_space<semaphore_mem>>)
      %dma_start3A_49 = tpu.memref_slice %arg12[%mul3A_38] : memref<10000xi32, #tpu.memory_space<vmem>> -> memref<40xi32, #tpu.memory_space<vmem>>
      %dma_start3A_50 = arith.constant 0 : i32
      %dma_start3A_51 = arith.constant 0 : i32
      %dma_start3A_52 = tpu.memref_slice %arg4[%dma_start3A_50, %dma_start3A_51] : memref<10000x128xf32, #tpu.memory_space<hbm>> -> memref<10000x128xf32, #tpu.memory_space<hbm>>
      tpu.enqueue_indirect_dma source(%dma_start3A_52 : memref<10000x128xf32, #tpu.memory_space<hbm>>) target(%arg21 : memref<40x128xf32, #tpu.memory_space<vmem>>) offsets(%dma_start3A_49 : memref<40xi32, #tpu.memory_space<vmem>>) semaphore(%arg25 : memref<!tpu.dma_semaphore, #tpu.memory_space<semaphore_mem>>)
      %dma_start3A_53 = tpu.memref_slice %arg13[%mul3A_40] : memref<10000xi32, #tpu.memory_space<vmem>> -> memref<40xi32, #tpu.memory_space<vmem>>
      %dma_start3A_54 = arith.constant 0 : i32
      %dma_start3A_55 = arith.constant 0 : i32
      %dma_start3A_56 = tpu.memref_slice %arg2[%dma_start3A_54, %dma_start3A_55] : memref<10000x128xf32, #tpu.memory_space<hbm>> -> memref<10000x128xf32, #tpu.memory_space<hbm>>
      tpu.enqueue_indirect_dma source(%dma_start3A_56 : memref<10000x128xf32, #tpu.memory_space<hbm>>) target(%arg22 : memref<40x128xf32, #tpu.memory_space<vmem>>) offsets(%dma_start3A_53 : memref<40xi32, #tpu.memory_space<vmem>>) semaphore(%arg25 : memref<!tpu.dma_semaphore, #tpu.memory_space<semaphore_mem>>)
      %dma_start3A_57 = tpu.memref_slice %arg13[%mul3A_40] : memref<10000xi32, #tpu.memory_space<vmem>> -> memref<40xi32, #tpu.memory_space<vmem>>
      %dma_start3A_58 = arith.constant 0 : i32
      %dma_start3A_59 = arith.constant 0 : i32
      %dma_start3A_60 = tpu.memref_slice %arg4[%dma_start3A_58, %dma_start3A_59] : memref<10000x128xf32, #tpu.memory_space<hbm>> -> memref<10000x128xf32, #tpu.memory_space<hbm>>
      tpu.enqueue_indirect_dma source(%dma_start3A_60 : memref<10000x128xf32, #tpu.memory_space<hbm>>) target(%arg23 : memref<40x128xf32, #tpu.memory_space<vmem>>) offsets(%dma_start3A_57 : memref<40xi32, #tpu.memory_space<vmem>>) semaphore(%arg25 : memref<!tpu.dma_semaphore, #tpu.memory_space<semaphore_mem>>)
      %mul3A_61 = arith.constant 2 : i32
      %mul3A_62 = arith.muli %mul3A_61, %scan3A_32 : i32
      %dma_wait3A = arith.constant 0 : i32
      %dma_wait3A_63 = arith.constant 0 : i32
      %dma_wait3A_64 = tpu.memref_slice %arg2[%dma_wait3A, %dma_wait3A_63] : memref<10000x128xf32, #tpu.memory_space<hbm>> -> memref<40x128xf32, #tpu.memory_space<hbm>>
      %dma_wait3A_65 = arith.constant 0 : i32
      %dma_wait3A_66 = arith.constant 0 : i32
      %dma_wait3A_67 = tpu.memref_slice %arg2[%dma_wait3A_65, %dma_wait3A_66] : memref<10000x128xf32, #tpu.memory_space<hbm>> -> memref<40x128xf32, #tpu.memory_space<hbm>>
      tpu.wait_dma2 semaphore(%arg24 : memref<!tpu.dma_semaphore, #tpu.memory_space<semaphore_mem>>) src(%dma_wait3A_67 : memref<40x128xf32, #tpu.memory_space<hbm>>) dst(%arg14 : memref<40x128xf32, #tpu.memory_space<vmem>>)
      %dma_wait3A_68 = arith.constant 0 : i32
      %dma_wait3A_69 = arith.constant 0 : i32
      %dma_wait3A_70 = tpu.memref_slice %arg2[%dma_wait3A_68, %dma_wait3A_69] : memref<10000x128xf32, #tpu.memory_space<hbm>> -> memref<40x128xf32, #tpu.memory_space<hbm>>
      %dma_wait3A_71 = arith.constant 0 : i32
      %dma_wait3A_72 = arith.constant 0 : i32
      %dma_wait3A_73 = tpu.memref_slice %arg2[%dma_wait3A_71, %dma_wait3A_72] : memref<10000x128xf32, #tpu.memory_space<hbm>> -> memref<40x128xf32, #tpu.memory_space<hbm>>
      tpu.wait_dma2 semaphore(%arg24 : memref<!tpu.dma_semaphore, #tpu.memory_space<semaphore_mem>>) src(%dma_wait3A_73 : memref<40x128xf32, #tpu.memory_space<hbm>>) dst(%arg15 : memref<40x128xf32, #tpu.memory_space<vmem>>)
      %dma_wait3A_74 = arith.constant 0 : i32
      %dma_wait3A_75 = arith.constant 0 : i32
      %dma_wait3A_76 = tpu.memref_slice %arg2[%dma_wait3A_74, %dma_wait3A_75] : memref<10000x128xf32, #tpu.memory_space<hbm>> -> memref<40x128xf32, #tpu.memory_space<hbm>>
      %dma_wait3A_77 = arith.constant 0 : i32
      %dma_wait3A_78 = arith.constant 0 : i32
      %dma_wait3A_79 = tpu.memref_slice %arg2[%dma_wait3A_77, %dma_wait3A_78] : memref<10000x128xf32, #tpu.memory_space<hbm>> -> memref<40x128xf32, #tpu.memory_space<hbm>>
      tpu.wait_dma2 semaphore(%arg24 : memref<!tpu.dma_semaphore, #tpu.memory_space<semaphore_mem>>) src(%dma_wait3A_79 : memref<40x128xf32, #tpu.memory_space<hbm>>) dst(%arg16 : memref<40x128xf32, #tpu.memory_space<vmem>>)
      %dma_wait3A_80 = arith.constant 0 : i32
      %dma_wait3A_81 = arith.constant 0 : i32
      %dma_wait3A_82 = tpu.memref_slice %arg2[%dma_wait3A_80, %dma_wait3A_81] : memref<10000x128xf32, #tpu.memory_space<hbm>> -> memref<40x128xf32, #tpu.memory_space<hbm>>
      %dma_wait3A_83 = arith.constant 0 : i32
      %dma_wait3A_84 = arith.constant 0 : i32
      %dma_wait3A_85 = tpu.memref_slice %arg2[%dma_wait3A_83, %dma_wait3A_84] : memref<10000x128xf32, #tpu.memory_space<hbm>> -> memref<40x128xf32, #tpu.memory_space<hbm>>
      tpu.wait_dma2 semaphore(%arg24 : memref<!tpu.dma_semaphore, #tpu.memory_space<semaphore_mem>>) src(%dma_wait3A_85 : memref<40x128xf32, #tpu.memory_space<hbm>>) dst(%arg17 : memref<40x128xf32, #tpu.memory_space<vmem>>)
      %dma_wait3A_86 = arith.constant 0 : i32
      %dma_wait3A_87 = arith.constant 0 : i32
      %dma_wait3A_88 = tpu.memref_slice %arg2[%dma_wait3A_86, %dma_wait3A_87] : memref<10000x128xf32, #tpu.memory_space<hbm>> -> memref<40x128xf32, #tpu.memory_space<hbm>>
      %dma_wait3A_89 = arith.constant 0 : i32
      %dma_wait3A_90 = arith.constant 0 : i32
      %dma_wait3A_91 = tpu.memref_slice %arg2[%dma_wait3A_89, %dma_wait3A_90] : memref<10000x128xf32, #tpu.memory_space<hbm>> -> memref<40x128xf32, #tpu.memory_space<hbm>>
      tpu.wait_dma2 semaphore(%arg24 : memref<!tpu.dma_semaphore, #tpu.memory_space<semaphore_mem>>) src(%dma_wait3A_91 : memref<40x128xf32, #tpu.memory_space<hbm>>) dst(%arg18 : memref<40x128xf32, #tpu.memory_space<vmem>>)
      %mul3A_92 = arith.constant 40 : i32
      %mul3A_93 = arith.muli %mul3A_62, %mul3A_92 : i32
      %add3A_94 = arith.addi %mul3A_2, %mul3A_93 : i32
      "tpu.region"() ({
        %run_scoped3A = tpu.sem_alloc : memref<!tpu.dma_semaphore, #tpu.memory_space<semaphore_mem>>
        %dma_start3A_134 = arith.constant 0 : i32
        %dma_start3A_135 = tpu.memref_slice %arg7[%add3A_94, %dma_start3A_134] : memref<320000x128xf32, #tpu.memory_space<hbm>> -> memref<40x128xf32, #tpu.memory_space<hbm>>
        %dma_start3A_136 = arith.constant 0 : i32
        %dma_start3A_137 = tpu.memref_slice %arg7[%add3A_94, %dma_start3A_136] : memref<320000x128xf32, #tpu.memory_space<hbm>> -> memref<40x128xf32, #tpu.memory_space<hbm>>
        tpu.enqueue_dma source(%arg14 : memref<40x128xf32, #tpu.memory_space<vmem>>) target(%dma_start3A_137 : memref<40x128xf32, #tpu.memory_space<hbm>>) target_semaphore(%run_scoped3A : memref<!tpu.dma_semaphore, #tpu.memory_space<semaphore_mem>>)
        %dma_wait3A_138 = arith.constant 0 : i32
        %dma_wait3A_139 = tpu.memref_slice %arg7[%add3A_94, %dma_wait3A_138] : memref<320000x128xf32, #tpu.memory_space<hbm>> -> memref<40x128xf32, #tpu.memory_space<hbm>>
        %dma_wait3A_140 = arith.constant 0 : i32
        %dma_wait3A_141 = tpu.memref_slice %arg7[%add3A_94, %dma_wait3A_140] : memref<320000x128xf32, #tpu.memory_space<hbm>> -> memref<40x128xf32, #tpu.memory_space<hbm>>
        tpu.wait_dma2 semaphore(%run_scoped3A : memref<!tpu.dma_semaphore, #tpu.memory_space<semaphore_mem>>) src(%arg14 : memref<40x128xf32, #tpu.memory_space<vmem>>) dst(%dma_wait3A_141 : memref<40x128xf32, #tpu.memory_space<hbm>>)
        tpu.yield
      }) : () -> ()
      "tpu.region"() ({
        %run_scoped3A = tpu.sem_alloc : memref<!tpu.dma_semaphore, #tpu.memory_space<semaphore_mem>>
        %dma_start3A_134 = arith.constant 0 : i32
        %dma_start3A_135 = tpu.memref_slice %arg8[%add3A_94, %dma_start3A_134] : memref<320000x128xf32, #tpu.memory_space<hbm>> -> memref<40x128xf32, #tpu.memory_space<hbm>>
        %dma_start3A_136 = arith.constant 0 : i32
        %dma_start3A_137 = tpu.memref_slice %arg8[%add3A_94, %dma_start3A_136] : memref<320000x128xf32, #tpu.memory_space<hbm>> -> memref<40x128xf32, #tpu.memory_space<hbm>>
        tpu.enqueue_dma source(%arg15 : memref<40x128xf32, #tpu.memory_space<vmem>>) target(%dma_start3A_137 : memref<40x128xf32, #tpu.memory_space<hbm>>) target_semaphore(%run_scoped3A : memref<!tpu.dma_semaphore, #tpu.memory_space<semaphore_mem>>)
        %dma_wait3A_138 = arith.constant 0 : i32
        %dma_wait3A_139 = tpu.memref_slice %arg8[%add3A_94, %dma_wait3A_138] : memref<320000x128xf32, #tpu.memory_space<hbm>> -> memref<40x128xf32, #tpu.memory_space<hbm>>
        %dma_wait3A_140 = arith.constant 0 : i32
        %dma_wait3A_141 = tpu.memref_slice %arg8[%add3A_94, %dma_wait3A_140] : memref<320000x128xf32, #tpu.memory_space<hbm>> -> memref<40x128xf32, #tpu.memory_space<hbm>>
        tpu.wait_dma2 semaphore(%run_scoped3A : memref<!tpu.dma_semaphore, #tpu.memory_space<semaphore_mem>>) src(%arg15 : memref<40x128xf32, #tpu.memory_space<vmem>>) dst(%dma_wait3A_141 : memref<40x128xf32, #tpu.memory_space<hbm>>)
        tpu.yield
      }) : () -> ()
      "tpu.region"() ({
        %run_scoped3A = tpu.sem_alloc : memref<!tpu.dma_semaphore, #tpu.memory_space<semaphore_mem>>
        %dma_start3A_134 = arith.constant 0 : i32
        %dma_start3A_135 = tpu.memref_slice %arg9[%add3A_94, %dma_start3A_134] : memref<320000x128xf32, #tpu.memory_space<hbm>> -> memref<40x128xf32, #tpu.memory_space<hbm>>
        %dma_start3A_136 = arith.constant 0 : i32
        %dma_start3A_137 = tpu.memref_slice %arg9[%add3A_94, %dma_start3A_136] : memref<320000x128xf32, #tpu.memory_space<hbm>> -> memref<40x128xf32, #tpu.memory_space<hbm>>
        tpu.enqueue_dma source(%arg16 : memref<40x128xf32, #tpu.memory_space<vmem>>) target(%dma_start3A_137 : memref<40x128xf32, #tpu.memory_space<hbm>>) target_semaphore(%run_scoped3A : memref<!tpu.dma_semaphore, #tpu.memory_space<semaphore_mem>>)
        %dma_wait3A_138 = arith.constant 0 : i32
        %dma_wait3A_139 = tpu.memref_slice %arg9[%add3A_94, %dma_wait3A_138] : memref<320000x128xf32, #tpu.memory_space<hbm>> -> memref<40x128xf32, #tpu.memory_space<hbm>>
        %dma_wait3A_140 = arith.constant 0 : i32
        %dma_wait3A_141 = tpu.memref_slice %arg9[%add3A_94, %dma_wait3A_140] : memref<320000x128xf32, #tpu.memory_space<hbm>> -> memref<40x128xf32, #tpu.memory_space<hbm>>
        tpu.wait_dma2 semaphore(%run_scoped3A : memref<!tpu.dma_semaphore, #tpu.memory_space<semaphore_mem>>) src(%arg16 : memref<40x128xf32, #tpu.memory_space<vmem>>) dst(%dma_wait3A_141 : memref<40x128xf32, #tpu.memory_space<hbm>>)
        tpu.yield
      }) : () -> ()
      "tpu.region"() ({
        %run_scoped3A = tpu.sem_alloc : memref<!tpu.dma_semaphore, #tpu.memory_space<semaphore_mem>>
        %dma_start3A_134 = arith.constant 0 : i32
        %dma_start3A_135 = tpu.memref_slice %arg10[%add3A_94, %dma_start3A_134] : memref<320000x128xf32, #tpu.memory_space<hbm>> -> memref<40x128xf32, #tpu.memory_space<hbm>>
        %dma_start3A_136 = arith.constant 0 : i32
        %dma_start3A_137 = tpu.memref_slice %arg10[%add3A_94, %dma_start3A_136] : memref<320000x128xf32, #tpu.memory_space<hbm>> -> memref<40x128xf32, #tpu.memory_space<hbm>>
        tpu.enqueue_dma source(%arg17 : memref<40x128xf32, #tpu.memory_space<vmem>>) target(%dma_start3A_137 : memref<40x128xf32, #tpu.memory_space<hbm>>) target_semaphore(%run_scoped3A : memref<!tpu.dma_semaphore, #tpu.memory_space<semaphore_mem>>)
        %dma_wait3A_138 = arith.constant 0 : i32
        %dma_wait3A_139 = tpu.memref_slice %arg10[%add3A_94, %dma_wait3A_138] : memref<320000x128xf32, #tpu.memory_space<hbm>> -> memref<40x128xf32, #tpu.memory_space<hbm>>
        %dma_wait3A_140 = arith.constant 0 : i32
        %dma_wait3A_141 = tpu.memref_slice %arg10[%add3A_94, %dma_wait3A_140] : memref<320000x128xf32, #tpu.memory_space<hbm>> -> memref<40x128xf32, #tpu.memory_space<hbm>>
        tpu.wait_dma2 semaphore(%run_scoped3A : memref<!tpu.dma_semaphore, #tpu.memory_space<semaphore_mem>>) src(%arg17 : memref<40x128xf32, #tpu.memory_space<vmem>>) dst(%dma_wait3A_141 : memref<40x128xf32, #tpu.memory_space<hbm>>)
        tpu.yield
      }) : () -> ()
      "tpu.region"() ({
        %run_scoped3A = tpu.sem_alloc : memref<!tpu.dma_semaphore, #tpu.memory_space<semaphore_mem>>
        %dma_start3A_134 = arith.constant 0 : i32
        %dma_start3A_135 = tpu.memref_slice %arg11[%add3A_94, %dma_start3A_134] : memref<320000x128xf32, #tpu.memory_space<hbm>> -> memref<40x128xf32, #tpu.memory_space<hbm>>
        %dma_start3A_136 = arith.constant 0 : i32
        %dma_start3A_137 = tpu.memref_slice %arg11[%add3A_94, %dma_start3A_136] : memref<320000x128xf32, #tpu.memory_space<hbm>> -> memref<40x128xf32, #tpu.memory_space<hbm>>
        tpu.enqueue_dma source(%arg18 : memref<40x128xf32, #tpu.memory_space<vmem>>) target(%dma_start3A_137 : memref<40x128xf32, #tpu.memory_space<hbm>>) target_semaphore(%run_scoped3A : memref<!tpu.dma_semaphore, #tpu.memory_space<semaphore_mem>>)
        %dma_wait3A_138 = arith.constant 0 : i32
        %dma_wait3A_139 = tpu.memref_slice %arg11[%add3A_94, %dma_wait3A_138] : memref<320000x128xf32, #tpu.memory_space<hbm>> -> memref<40x128xf32, #tpu.memory_space<hbm>>
        %dma_wait3A_140 = arith.constant 0 : i32
        %dma_wait3A_141 = tpu.memref_slice %arg11[%add3A_94, %dma_wait3A_140] : memref<320000x128xf32, #tpu.memory_space<hbm>> -> memref<40x128xf32, #tpu.memory_space<hbm>>
        tpu.wait_dma2 semaphore(%run_scoped3A : memref<!tpu.dma_semaphore, #tpu.memory_space<semaphore_mem>>) src(%arg18 : memref<40x128xf32, #tpu.memory_space<vmem>>) dst(%dma_wait3A_141 : memref<40x128xf32, #tpu.memory_space<hbm>>)
        tpu.yield
      }) : () -> ()
      %lt3A = arith.constant 124 : i32
      %lt3A_95 = arith.cmpi slt, %scan3A_32, %lt3A : i32
      %convert_element_type3A = arith.extui %lt3A_95 : i1 to i32
      %cond3A = arith.constant 0 : i32
      %cond3A_96 = arith.cmpi ne, %convert_element_type3A, %cond3A : i32
      scf.if %cond3A_96 {
        %mul3A_134 = arith.constant 2 : i32
        %mul3A_135 = arith.muli %mul3A_134, %scan3A_32 : i32
        %add3A_136 = arith.constant 2 : i32
        %add3A_137 = arith.addi %mul3A_135, %add3A_136 : i32
        %mul3A_138 = arith.constant 40 : i32
        %mul3A_139 = arith.muli %add3A_137, %mul3A_138 : i32
        %mul3A_140 = arith.constant 40 : i32
        %mul3A_141 = arith.muli %add3A_137, %mul3A_140 : i32
        %dma_start3A_142 = tpu.memref_slice %arg12[%mul3A_139] : memref<10000xi32, #tpu.memory_space<vmem>> -> memref<40xi32, #tpu.memory_space<vmem>>
        %dma_start3A_143 = arith.constant 0 : i32
        %dma_start3A_144 = arith.constant 0 : i32
        %dma_start3A_145 = tpu.memref_slice %arg2[%dma_start3A_143, %dma_start3A_144] : memref<10000x128xf32, #tpu.memory_space<hbm>> -> memref<10000x128xf32, #tpu.memory_space<hbm>>
        tpu.enqueue_indirect_dma source(%dma_start3A_145 : memref<10000x128xf32, #tpu.memory_space<hbm>>) target(%arg14 : memref<40x128xf32, #tpu.memory_space<vmem>>) offsets(%dma_start3A_142 : memref<40xi32, #tpu.memory_space<vmem>>) semaphore(%arg24 : memref<!tpu.dma_semaphore, #tpu.memory_space<semaphore_mem>>)
        %dma_start3A_146 = tpu.memref_slice %arg12[%mul3A_139] : memref<10000xi32, #tpu.memory_space<vmem>> -> memref<40xi32, #tpu.memory_space<vmem>>
        %dma_start3A_147 = arith.constant 0 : i32
        %dma_start3A_148 = arith.constant 0 : i32
        %dma_start3A_149 = tpu.memref_slice %arg3[%dma_start3A_147, %dma_start3A_148] : memref<10000x128xf32, #tpu.memory_space<hbm>> -> memref<10000x128xf32, #tpu.memory_space<hbm>>
        tpu.enqueue_indirect_dma source(%dma_start3A_149 : memref<10000x128xf32, #tpu.memory_space<hbm>>) target(%arg15 : memref<40x128xf32, #tpu.memory_space<vmem>>) offsets(%dma_start3A_146 : memref<40xi32, #tpu.memory_space<vmem>>) semaphore(%arg24 : memref<!tpu.dma_semaphore, #tpu.memory_space<semaphore_mem>>)
        %dma_start3A_150 = tpu.memref_slice %arg12[%mul3A_139] : memref<10000xi32, #tpu.memory_space<vmem>> -> memref<40xi32, #tpu.memory_space<vmem>>
        %dma_start3A_151 = arith.constant 0 : i32
        %dma_start3A_152 = arith.constant 0 : i32
        %dma_start3A_153 = tpu.memref_slice %arg4[%dma_start3A_151, %dma_start3A_152] : memref<10000x128xf32, #tpu.memory_space<hbm>> -> memref<10000x128xf32, #tpu.memory_space<hbm>>
        tpu.enqueue_indirect_dma source(%dma_start3A_153 : memref<10000x128xf32, #tpu.memory_space<hbm>>) target(%arg16 : memref<40x128xf32, #tpu.memory_space<vmem>>) offsets(%dma_start3A_150 : memref<40xi32, #tpu.memory_space<vmem>>) semaphore(%arg24 : memref<!tpu.dma_semaphore, #tpu.memory_space<semaphore_mem>>)
        %dma_start3A_154 = tpu.memref_slice %arg13[%mul3A_141] : memref<10000xi32, #tpu.memory_space<vmem>> -> memref<40xi32, #tpu.memory_space<vmem>>
        %dma_start3A_155 = arith.constant 0 : i32
        %dma_start3A_156 = arith.constant 0 : i32
        %dma_start3A_157 = tpu.memref_slice %arg2[%dma_start3A_155, %dma_start3A_156] : memref<10000x128xf32, #tpu.memory_space<hbm>> -> memref<10000x128xf32, #tpu.memory_space<hbm>>
        tpu.enqueue_indirect_dma source(%dma_start3A_157 : memref<10000x128xf32, #tpu.memory_space<hbm>>) target(%arg17 : memref<40x128xf32, #tpu.memory_space<vmem>>) offsets(%dma_start3A_154 : memref<40xi32, #tpu.memory_space<vmem>>) semaphore(%arg24 : memref<!tpu.dma_semaphore, #tpu.memory_space<semaphore_mem>>)
        %dma_start3A_158 = tpu.memref_slice %arg13[%mul3A_141] : memref<10000xi32, #tpu.memory_space<vmem>> -> memref<40xi32, #tpu.memory_space<vmem>>
        %dma_start3A_159 = arith.constant 0 : i32
        %dma_start3A_160 = arith.constant 0 : i32
        %dma_start3A_161 = tpu.memref_slice %arg4[%dma_start3A_159, %dma_start3A_160] : memref<10000x128xf32, #tpu.memory_space<hbm>> -> memref<10000x128xf32, #tpu.memory_space<hbm>>
        tpu.enqueue_indirect_dma source(%dma_start3A_161 : memref<10000x128xf32, #tpu.memory_space<hbm>>) target(%arg18 : memref<40x128xf32, #tpu.memory_space<vmem>>) offsets(%dma_start3A_158 : memref<40xi32, #tpu.memory_space<vmem>>) semaphore(%arg24 : memref<!tpu.dma_semaphore, #tpu.memory_space<semaphore_mem>>)
      } else {
      }
      %mul3A_97 = arith.constant 2 : i32
      %mul3A_98 = arith.muli %mul3A_97, %scan3A_32 : i32
      %add3A_99 = arith.constant 1 : i32
      %add3A_100 = arith.addi %mul3A_98, %add3A_99 : i32
      %dma_wait3A_101 = arith.constant 0 : i32
      %dma_wait3A_102 = arith.constant 0 : i32
      %dma_wait3A_103 = tpu.memref_slice %arg2[%dma_wait3A_101, %dma_wait3A_102] : memref<10000x128xf32, #tpu.memory_space<hbm>> -> memref<40x128xf32, #tpu.memory_space<hbm>>
      %dma_wait3A_104 = arith.constant 0 : i32
      %dma_wait3A_105 = arith.constant 0 : i32
      %dma_wait3A_106 = tpu.memref_slice %arg2[%dma_wait3A_104, %dma_wait3A_105] : memref<10000x128xf32, #tpu.memory_space<hbm>> -> memref<40x128xf32, #tpu.memory_space<hbm>>
      tpu.wait_dma2 semaphore(%arg25 : memref<!tpu.dma_semaphore, #tpu.memory_space<semaphore_mem>>) src(%dma_wait3A_106 : memref<40x128xf32, #tpu.memory_space<hbm>>) dst(%arg19 : memref<40x128xf32, #tpu.memory_space<vmem>>)
      %dma_wait3A_107 = arith.constant 0 : i32
      %dma_wait3A_108 = arith.constant 0 : i32
      %dma_wait3A_109 = tpu.memref_slice %arg2[%dma_wait3A_107, %dma_wait3A_108] : memref<10000x128xf32, #tpu.memory_space<hbm>> -> memref<40x128xf32, #tpu.memory_space<hbm>>
      %dma_wait3A_110 = arith.constant 0 : i32
      %dma_wait3A_111 = arith.constant 0 : i32
      %dma_wait3A_112 = tpu.memref_slice %arg2[%dma_wait3A_110, %dma_wait3A_111] : memref<10000x128xf32, #tpu.memory_space<hbm>> -> memref<40x128xf32, #tpu.memory_space<hbm>>
      tpu.wait_dma2 semaphore(%arg25 : memref<!tpu.dma_semaphore, #tpu.memory_space<semaphore_mem>>) src(%dma_wait3A_112 : memref<40x128xf32, #tpu.memory_space<hbm>>) dst(%arg20 : memref<40x128xf32, #tpu.memory_space<vmem>>)
      %dma_wait3A_113 = arith.constant 0 : i32
      %dma_wait3A_114 = arith.constant 0 : i32
      %dma_wait3A_115 = tpu.memref_slice %arg2[%dma_wait3A_113, %dma_wait3A_114] : memref<10000x128xf32, #tpu.memory_space<hbm>> -> memref<40x128xf32, #tpu.memory_space<hbm>>
      %dma_wait3A_116 = arith.constant 0 : i32
      %dma_wait3A_117 = arith.constant 0 : i32
      %dma_wait3A_118 = tpu.memref_slice %arg2[%dma_wait3A_116, %dma_wait3A_117] : memref<10000x128xf32, #tpu.memory_space<hbm>> -> memref<40x128xf32, #tpu.memory_space<hbm>>
      tpu.wait_dma2 semaphore(%arg25 : memref<!tpu.dma_semaphore, #tpu.memory_space<semaphore_mem>>) src(%dma_wait3A_118 : memref<40x128xf32, #tpu.memory_space<hbm>>) dst(%arg21 : memref<40x128xf32, #tpu.memory_space<vmem>>)
      %dma_wait3A_119 = arith.constant 0 : i32
      %dma_wait3A_120 = arith.constant 0 : i32
      %dma_wait3A_121 = tpu.memref_slice %arg2[%dma_wait3A_119, %dma_wait3A_120] : memref<10000x128xf32, #tpu.memory_space<hbm>> -> memref<40x128xf32, #tpu.memory_space<hbm>>
      %dma_wait3A_122 = arith.constant 0 : i32
      %dma_wait3A_123 = arith.constant 0 : i32
      %dma_wait3A_124 = tpu.memref_slice %arg2[%dma_wait3A_122, %dma_wait3A_123] : memref<10000x128xf32, #tpu.memory_space<hbm>> -> memref<40x128xf32, #tpu.memory_space<hbm>>
      tpu.wait_dma2 semaphore(%arg25 : memref<!tpu.dma_semaphore, #tpu.memory_space<semaphore_mem>>) src(%dma_wait3A_124 : memref<40x128xf32, #tpu.memory_space<hbm>>) dst(%arg22 : memref<40x128xf32, #tpu.memory_space<vmem>>)
      %dma_wait3A_125 = arith.constant 0 : i32
      %dma_wait3A_126 = arith.constant 0 : i32
      %dma_wait3A_127 = tpu.memref_slice %arg2[%dma_wait3A_125, %dma_wait3A_126] : memref<10000x128xf32, #tpu.memory_space<hbm>> -> memref<40x128xf32, #tpu.memory_space<hbm>>
      %dma_wait3A_128 = arith.constant 0 : i32
      %dma_wait3A_129 = arith.constant 0 : i32
      %dma_wait3A_130 = tpu.memref_slice %arg2[%dma_wait3A_128, %dma_wait3A_129] : memref<10000x128xf32, #tpu.memory_space<hbm>> -> memref<40x128xf32, #tpu.memory_space<hbm>>
      tpu.wait_dma2 semaphore(%arg25 : memref<!tpu.dma_semaphore, #tpu.memory_space<semaphore_mem>>) src(%dma_wait3A_130 : memref<40x128xf32, #tpu.memory_space<hbm>>) dst(%arg23 : memref<40x128xf32, #tpu.memory_space<vmem>>)
      %mul3A_131 = arith.constant 40 : i32
      %mul3A_132 = arith.muli %add3A_100, %mul3A_131 : i32
      %add3A_133 = arith.addi %mul3A_2, %mul3A_132 : i32
      "tpu.region"() ({
        %run_scoped3A = tpu.sem_alloc : memref<!tpu.dma_semaphore, #tpu.memory_space<semaphore_mem>>
        %dma_start3A_134 = arith.constant 0 : i32
        %dma_start3A_135 = tpu.memref_slice %arg7[%add3A_133, %dma_start3A_134] : memref<320000x128xf32, #tpu.memory_space<hbm>> -> memref<40x128xf32, #tpu.memory_space<hbm>>
        %dma_start3A_136 = arith.constant 0 : i32
        %dma_start3A_137 = tpu.memref_slice %arg7[%add3A_133, %dma_start3A_136] : memref<320000x128xf32, #tpu.memory_space<hbm>> -> memref<40x128xf32, #tpu.memory_space<hbm>>
        tpu.enqueue_dma source(%arg19 : memref<40x128xf32, #tpu.memory_space<vmem>>) target(%dma_start3A_137 : memref<40x128xf32, #tpu.memory_space<hbm>>) target_semaphore(%run_scoped3A : memref<!tpu.dma_semaphore, #tpu.memory_space<semaphore_mem>>)
        %dma_wait3A_138 = arith.constant 0 : i32
        %dma_wait3A_139 = tpu.memref_slice %arg7[%add3A_133, %dma_wait3A_138] : memref<320000x128xf32, #tpu.memory_space<hbm>> -> memref<40x128xf32, #tpu.memory_space<hbm>>
        %dma_wait3A_140 = arith.constant 0 : i32
        %dma_wait3A_141 = tpu.memref_slice %arg7[%add3A_133, %dma_wait3A_140] : memref<320000x128xf32, #tpu.memory_space<hbm>> -> memref<40x128xf32, #tpu.memory_space<hbm>>
        tpu.wait_dma2 semaphore(%run_scoped3A : memref<!tpu.dma_semaphore, #tpu.memory_space<semaphore_mem>>) src(%arg19 : memref<40x128xf32, #tpu.memory_space<vmem>>) dst(%dma_wait3A_141 : memref<40x128xf32, #tpu.memory_space<hbm>>)
        tpu.yield
      }) : () -> ()
      "tpu.region"() ({
        %run_scoped3A = tpu.sem_alloc : memref<!tpu.dma_semaphore, #tpu.memory_space<semaphore_mem>>
        %dma_start3A_134 = arith.constant 0 : i32
        %dma_start3A_135 = tpu.memref_slice %arg8[%add3A_133, %dma_start3A_134] : memref<320000x128xf32, #tpu.memory_space<hbm>> -> memref<40x128xf32, #tpu.memory_space<hbm>>
        %dma_start3A_136 = arith.constant 0 : i32
        %dma_start3A_137 = tpu.memref_slice %arg8[%add3A_133, %dma_start3A_136] : memref<320000x128xf32, #tpu.memory_space<hbm>> -> memref<40x128xf32, #tpu.memory_space<hbm>>
        tpu.enqueue_dma source(%arg20 : memref<40x128xf32, #tpu.memory_space<vmem>>) target(%dma_start3A_137 : memref<40x128xf32, #tpu.memory_space<hbm>>) target_semaphore(%run_scoped3A : memref<!tpu.dma_semaphore, #tpu.memory_space<semaphore_mem>>)
        %dma_wait3A_138 = arith.constant 0 : i32
        %dma_wait3A_139 = tpu.memref_slice %arg8[%add3A_133, %dma_wait3A_138] : memref<320000x128xf32, #tpu.memory_space<hbm>> -> memref<40x128xf32, #tpu.memory_space<hbm>>
        %dma_wait3A_140 = arith.constant 0 : i32
        %dma_wait3A_141 = tpu.memref_slice %arg8[%add3A_133, %dma_wait3A_140] : memref<320000x128xf32, #tpu.memory_space<hbm>> -> memref<40x128xf32, #tpu.memory_space<hbm>>
        tpu.wait_dma2 semaphore(%run_scoped3A : memref<!tpu.dma_semaphore, #tpu.memory_space<semaphore_mem>>) src(%arg20 : memref<40x128xf32, #tpu.memory_space<vmem>>) dst(%dma_wait3A_141 : memref<40x128xf32, #tpu.memory_space<hbm>>)
        tpu.yield
      }) : () -> ()
      "tpu.region"() ({
        %run_scoped3A = tpu.sem_alloc : memref<!tpu.dma_semaphore, #tpu.memory_space<semaphore_mem>>
        %dma_start3A_134 = arith.constant 0 : i32
        %dma_start3A_135 = tpu.memref_slice %arg9[%add3A_133, %dma_start3A_134] : memref<320000x128xf32, #tpu.memory_space<hbm>> -> memref<40x128xf32, #tpu.memory_space<hbm>>
        %dma_start3A_136 = arith.constant 0 : i32
        %dma_start3A_137 = tpu.memref_slice %arg9[%add3A_133, %dma_start3A_136] : memref<320000x128xf32, #tpu.memory_space<hbm>> -> memref<40x128xf32, #tpu.memory_space<hbm>>
        tpu.enqueue_dma source(%arg21 : memref<40x128xf32, #tpu.memory_space<vmem>>) target(%dma_start3A_137 : memref<40x128xf32, #tpu.memory_space<hbm>>) target_semaphore(%run_scoped3A : memref<!tpu.dma_semaphore, #tpu.memory_space<semaphore_mem>>)
        %dma_wait3A_138 = arith.constant 0 : i32
        %dma_wait3A_139 = tpu.memref_slice %arg9[%add3A_133, %dma_wait3A_138] : memref<320000x128xf32, #tpu.memory_space<hbm>> -> memref<40x128xf32, #tpu.memory_space<hbm>>
        %dma_wait3A_140 = arith.constant 0 : i32
        %dma_wait3A_141 = tpu.memref_slice %arg9[%add3A_133, %dma_wait3A_140] : memref<320000x128xf32, #tpu.memory_space<hbm>> -> memref<40x128xf32, #tpu.memory_space<hbm>>
        tpu.wait_dma2 semaphore(%run_scoped3A : memref<!tpu.dma_semaphore, #tpu.memory_space<semaphore_mem>>) src(%arg21 : memref<40x128xf32, #tpu.memory_space<vmem>>) dst(%dma_wait3A_141 : memref<40x128xf32, #tpu.memory_space<hbm>>)
        tpu.yield
      }) : () -> ()
      "tpu.region"() ({
        %run_scoped3A = tpu.sem_alloc : memref<!tpu.dma_semaphore, #tpu.memory_space<semaphore_mem>>
        %dma_start3A_134 = arith.constant 0 : i32
        %dma_start3A_135 = tpu.memref_slice %arg10[%add3A_133, %dma_start3A_134] : memref<320000x128xf32, #tpu.memory_space<hbm>> -> memref<40x128xf32, #tpu.memory_space<hbm>>
        %dma_start3A_136 = arith.constant 0 : i32
        %dma_start3A_137 = tpu.memref_slice %arg10[%add3A_133, %dma_start3A_136] : memref<320000x128xf32, #tpu.memory_space<hbm>> -> memref<40x128xf32, #tpu.memory_space<hbm>>
        tpu.enqueue_dma source(%arg22 : memref<40x128xf32, #tpu.memory_space<vmem>>) target(%dma_start3A_137 : memref<40x128xf32, #tpu.memory_space<hbm>>) target_semaphore(%run_scoped3A : memref<!tpu.dma_semaphore, #tpu.memory_space<semaphore_mem>>)
        %dma_wait3A_138 = arith.constant 0 : i32
        %dma_wait3A_139 = tpu.memref_slice %arg10[%add3A_133, %dma_wait3A_138] : memref<320000x128xf32, #tpu.memory_space<hbm>> -> memref<40x128xf32, #tpu.memory_space<hbm>>
        %dma_wait3A_140 = arith.constant 0 : i32
        %dma_wait3A_141 = tpu.memref_slice %arg10[%add3A_133, %dma_wait3A_140] : memref<320000x128xf32, #tpu.memory_space<hbm>> -> memref<40x128xf32, #tpu.memory_space<hbm>>
        tpu.wait_dma2 semaphore(%run_scoped3A : memref<!tpu.dma_semaphore, #tpu.memory_space<semaphore_mem>>) src(%arg22 : memref<40x128xf32, #tpu.memory_space<vmem>>) dst(%dma_wait3A_141 : memref<40x128xf32, #tpu.memory_space<hbm>>)
        tpu.yield
      }) : () -> ()
      "tpu.region"() ({
        %run_scoped3A = tpu.sem_alloc : memref<!tpu.dma_semaphore, #tpu.memory_space<semaphore_mem>>
        %dma_start3A_134 = arith.constant 0 : i32
        %dma_start3A_135 = tpu.memref_slice %arg11[%add3A_133, %dma_start3A_134] : memref<320000x128xf32, #tpu.memory_space<hbm>> -> memref<40x128xf32, #tpu.memory_space<hbm>>
        %dma_start3A_136 = arith.constant 0 : i32
        %dma_start3A_137 = tpu.memref_slice %arg11[%add3A_133, %dma_start3A_136] : memref<320000x128xf32, #tpu.memory_space<hbm>> -> memref<40x128xf32, #tpu.memory_space<hbm>>
        tpu.enqueue_dma source(%arg23 : memref<40x128xf32, #tpu.memory_space<vmem>>) target(%dma_start3A_137 : memref<40x128xf32, #tpu.memory_space<hbm>>) target_semaphore(%run_scoped3A : memref<!tpu.dma_semaphore, #tpu.memory_space<semaphore_mem>>)
        %dma_wait3A_138 = arith.constant 0 : i32
        %dma_wait3A_139 = tpu.memref_slice %arg11[%add3A_133, %dma_wait3A_138] : memref<320000x128xf32, #tpu.memory_space<hbm>> -> memref<40x128xf32, #tpu.memory_space<hbm>>
        %dma_wait3A_140 = arith.constant 0 : i32
        %dma_wait3A_141 = tpu.memref_slice %arg11[%add3A_133, %dma_wait3A_140] : memref<320000x128xf32, #tpu.memory_space<hbm>> -> memref<40x128xf32, #tpu.memory_space<hbm>>
        tpu.wait_dma2 semaphore(%run_scoped3A : memref<!tpu.dma_semaphore, #tpu.memory_space<semaphore_mem>>) src(%arg23 : memref<40x128xf32, #tpu.memory_space<vmem>>) dst(%dma_wait3A_141 : memref<40x128xf32, #tpu.memory_space<hbm>>)
        tpu.yield
      }) : () -> ()
    }
    %scan3A_31 = arith.constant 125 : i32
    return
  }
}

#map = affine_map<(d0, d1) -> (0, 0)>
#map1 = affine_map<(d0, d1) -> (0)>
#map2 = affine_map<(d0, d1) -> (0, 0, 0)>
module attributes {stable_mosaic.version = 14 : i64} {
  func.func @body(%arg0: i32, %arg1: i32, %arg2: memref<320000x128xf32, #tpu.memory_space<hbm>>, %arg3: memref<320000x128xf32, #tpu.memory_space<hbm>>, %arg4: memref<320000xi32, #tpu.memory_space<hbm>>, %arg5: memref<10112x128xf32, #tpu.memory_space<hbm>>, %arg6: memref<2x10112x128xf32, #tpu.memory_space<hbm>>, %arg7: memref<80xi32, #tpu.memory_space<vmem>>, %arg8: memref<80xi32, #tpu.memory_space<vmem>>, %arg9: memref<80x128xf32, #tpu.memory_space<vmem>>, %arg10: memref<80x128xf32, #tpu.memory_space<vmem>>, %arg11: memref<10112x128xf32, #tpu.memory_space<vmem_shared>>, %arg12: memref<!tpu.dma_semaphore, #tpu.memory_space<semaphore_mem>>, %arg13: memref<!tpu.dma_semaphore, #tpu.memory_space<semaphore_mem>>) attributes {dimension_semantics = [#tpu.dimension_semantics<core_parallel>, #tpu.dimension_semantics<subcore_parallel>], iteration_bounds = array<i64: 2, 16>, scalar_prefetch = 0 : i64, scratch_operands = 7 : i64, tpu.core_type = #tpu.core_type<sc_vector_subcore>, window_params = [{transform_indices = #map}, {transform_indices = #map}, {transform_indices = #map1}, {transform_indices = #map}, {transform_indices = #map2}]} {
    %mul3A = arith.constant 20000 : i32
    %mul3A_0 = arith.muli %arg1, %mul3A : i32
    %mul3A_1 = arith.constant 632 : i32
    %mul3A_2 = arith.muli %arg1, %mul3A_1 : i32
    %mul3A_3 = arith.constant 632 : i32
    %mul3A_4 = arith.muli %arg1, %mul3A_3 : i32
    "tpu.region"() ({
      %run_scoped3A = tpu.sem_alloc : memref<!tpu.dma_semaphore, #tpu.memory_space<semaphore_mem>>
      %dma_start3A = arith.constant 0 : i32
      %dma_start3A_17 = tpu.memref_slice %arg11[%mul3A_4, %dma_start3A] : memref<10112x128xf32, #tpu.memory_space<vmem_shared>> -> memref<632x128xf32, #tpu.memory_space<vmem_shared>>
      %dma_start3A_18 = arith.constant 0 : i32
      %dma_start3A_19 = tpu.memref_slice %arg5[%mul3A_2, %dma_start3A_18] : memref<10112x128xf32, #tpu.memory_space<hbm>> -> memref<632x128xf32, #tpu.memory_space<hbm>>
      tpu.enqueue_dma source(%dma_start3A_19 : memref<632x128xf32, #tpu.memory_space<hbm>>) target(%dma_start3A_17 : memref<632x128xf32, #tpu.memory_space<vmem_shared>>) target_semaphore(%run_scoped3A : memref<!tpu.dma_semaphore, #tpu.memory_space<semaphore_mem>>)
      %dma_wait3A = arith.constant 0 : i32
      %dma_wait3A_20 = tpu.memref_slice %arg11[%mul3A_4, %dma_wait3A] : memref<10112x128xf32, #tpu.memory_space<vmem_shared>> -> memref<632x128xf32, #tpu.memory_space<vmem_shared>>
      %dma_wait3A_21 = arith.constant 0 : i32
      %dma_wait3A_22 = tpu.memref_slice %arg5[%mul3A_2, %dma_wait3A_21] : memref<10112x128xf32, #tpu.memory_space<hbm>> -> memref<632x128xf32, #tpu.memory_space<hbm>>
      tpu.wait_dma2 semaphore(%run_scoped3A : memref<!tpu.dma_semaphore, #tpu.memory_space<semaphore_mem>>) src(%dma_wait3A_22 : memref<632x128xf32, #tpu.memory_space<hbm>>) dst(%dma_wait3A_20 : memref<632x128xf32, #tpu.memory_space<vmem_shared>>)
      tpu.yield
    }) : () -> ()
    %barrier3A = arith.constant 0 : index
    tpu.barrier barrier_id(%barrier3A)
    %eq3A = arith.constant 0 : i32
    %eq3A_5 = arith.cmpi eq, %arg0, %eq3A : i32
    %convert_element_type3A = arith.extui %eq3A_5 : i1 to i32
    %cond3A = arith.constant 0 : i32
    %cond3A_6 = arith.cmpi ne, %convert_element_type3A, %cond3A : i32
    scf.if %cond3A_6 {
      %add3A = arith.constant 0 : i32
      %add3A_17 = arith.addi %mul3A_0, %add3A : i32
      %dma_start3A = tpu.memref_slice %arg4[%add3A_17] : memref<320000xi32, #tpu.memory_space<hbm>> -> memref<80xi32, #tpu.memory_space<hbm>>
      %dma_start3A_18 = tpu.memref_slice %arg4[%add3A_17] : memref<320000xi32, #tpu.memory_space<hbm>> -> memref<80xi32, #tpu.memory_space<hbm>>
      tpu.enqueue_dma source(%dma_start3A_18 : memref<80xi32, #tpu.memory_space<hbm>>) target(%arg7 : memref<80xi32, #tpu.memory_space<vmem>>) target_semaphore(%arg12 : memref<!tpu.dma_semaphore, #tpu.memory_space<semaphore_mem>>)
      %dma_start3A_19 = arith.constant 0 : i32
      %dma_start3A_20 = tpu.memref_slice %arg2[%add3A_17, %dma_start3A_19] : memref<320000x128xf32, #tpu.memory_space<hbm>> -> memref<80x128xf32, #tpu.memory_space<hbm>>
      %dma_start3A_21 = arith.constant 0 : i32
      %dma_start3A_22 = tpu.memref_slice %arg2[%add3A_17, %dma_start3A_21] : memref<320000x128xf32, #tpu.memory_space<hbm>> -> memref<80x128xf32, #tpu.memory_space<hbm>>
      tpu.enqueue_dma source(%dma_start3A_22 : memref<80x128xf32, #tpu.memory_space<hbm>>) target(%arg9 : memref<80x128xf32, #tpu.memory_space<vmem>>) target_semaphore(%arg12 : memref<!tpu.dma_semaphore, #tpu.memory_space<semaphore_mem>>)
      %scan3A = arith.constant 0 : i32
      %scan3A_23 = arith.constant 0 : i32
      %scan3A_24 = arith.constant 125 : i32
      %scan3A_25 = arith.addi %scan3A_23, %scan3A_24 : i32
      %scan3A_26 = arith.constant 1 : i32
      scf.for %scan3A_28 = %scan3A_23 to %scan3A_25 step %scan3A_26  : i32 {
        %mul3A_29 = arith.constant 2 : i32
        %mul3A_30 = arith.muli %mul3A_29, %scan3A_28 : i32
        %add3A_31 = arith.constant 1 : i32
        %add3A_32 = arith.addi %mul3A_30, %add3A_31 : i32
        %mul3A_33 = arith.constant 80 : i32
        %mul3A_34 = arith.muli %add3A_32, %mul3A_33 : i32
        %add3A_35 = arith.addi %mul3A_0, %mul3A_34 : i32
        %dma_start3A_36 = tpu.memref_slice %arg4[%add3A_35] : memref<320000xi32, #tpu.memory_space<hbm>> -> memref<80xi32, #tpu.memory_space<hbm>>
        %dma_start3A_37 = tpu.memref_slice %arg4[%add3A_35] : memref<320000xi32, #tpu.memory_space<hbm>> -> memref<80xi32, #tpu.memory_space<hbm>>
        tpu.enqueue_dma source(%dma_start3A_37 : memref<80xi32, #tpu.memory_space<hbm>>) target(%arg8 : memref<80xi32, #tpu.memory_space<vmem>>) target_semaphore(%arg13 : memref<!tpu.dma_semaphore, #tpu.memory_space<semaphore_mem>>)
        %dma_start3A_38 = arith.constant 0 : i32
        %dma_start3A_39 = tpu.memref_slice %arg2[%add3A_35, %dma_start3A_38] : memref<320000x128xf32, #tpu.memory_space<hbm>> -> memref<80x128xf32, #tpu.memory_space<hbm>>
        %dma_start3A_40 = arith.constant 0 : i32
        %dma_start3A_41 = tpu.memref_slice %arg2[%add3A_35, %dma_start3A_40] : memref<320000x128xf32, #tpu.memory_space<hbm>> -> memref<80x128xf32, #tpu.memory_space<hbm>>
        tpu.enqueue_dma source(%dma_start3A_41 : memref<80x128xf32, #tpu.memory_space<hbm>>) target(%arg10 : memref<80x128xf32, #tpu.memory_space<vmem>>) target_semaphore(%arg13 : memref<!tpu.dma_semaphore, #tpu.memory_space<semaphore_mem>>)
        %dma_wait3A = arith.constant 0 : i32
        %dma_wait3A_42 = tpu.memref_slice %arg4[%dma_wait3A] : memref<320000xi32, #tpu.memory_space<hbm>> -> memref<80xi32, #tpu.memory_space<hbm>>
        %dma_wait3A_43 = arith.constant 0 : i32
        %dma_wait3A_44 = tpu.memref_slice %arg4[%dma_wait3A_43] : memref<320000xi32, #tpu.memory_space<hbm>> -> memref<80xi32, #tpu.memory_space<hbm>>
        tpu.wait_dma2 semaphore(%arg12 : memref<!tpu.dma_semaphore, #tpu.memory_space<semaphore_mem>>) src(%dma_wait3A_44 : memref<80xi32, #tpu.memory_space<hbm>>) dst(%arg7 : memref<80xi32, #tpu.memory_space<vmem>>)
        %dma_wait3A_45 = arith.constant 0 : i32
        %dma_wait3A_46 = arith.constant 0 : i32
        %dma_wait3A_47 = tpu.memref_slice %arg2[%dma_wait3A_45, %dma_wait3A_46] : memref<320000x128xf32, #tpu.memory_space<hbm>> -> memref<80x128xf32, #tpu.memory_space<hbm>>
        %dma_wait3A_48 = arith.constant 0 : i32
        %dma_wait3A_49 = arith.constant 0 : i32
        %dma_wait3A_50 = tpu.memref_slice %arg2[%dma_wait3A_48, %dma_wait3A_49] : memref<320000x128xf32, #tpu.memory_space<hbm>> -> memref<80x128xf32, #tpu.memory_space<hbm>>
        tpu.wait_dma2 semaphore(%arg12 : memref<!tpu.dma_semaphore, #tpu.memory_space<semaphore_mem>>) src(%dma_wait3A_50 : memref<80x128xf32, #tpu.memory_space<hbm>>) dst(%arg9 : memref<80x128xf32, #tpu.memory_space<vmem>>)
        "tpu.region"() ({
          %run_scoped3A = tpu.sem_alloc : memref<!tpu.dma_semaphore, #tpu.memory_space<semaphore_mem>>
          %dma_start3A_65 = arith.constant 0 : i32
          %dma_start3A_66 = arith.constant 0 : i32
          %dma_start3A_67 = tpu.memref_slice %arg11[%dma_start3A_65, %dma_start3A_66] : memref<10112x128xf32, #tpu.memory_space<vmem_shared>> -> memref<10112x128xf32, #tpu.memory_space<vmem_shared>>
          tpu.enqueue_indirect_dma source(%arg9 : memref<80x128xf32, #tpu.memory_space<vmem>>) target(%dma_start3A_67 : memref<10112x128xf32, #tpu.memory_space<vmem_shared>>) offsets(%arg7 : memref<80xi32, #tpu.memory_space<vmem>>) semaphore(%run_scoped3A : memref<!tpu.dma_semaphore, #tpu.memory_space<semaphore_mem>>) {add = true}
          %dma_wait3A_68 = arith.constant 0 : i32
          %dma_wait3A_69 = arith.constant 0 : i32
          %dma_wait3A_70 = tpu.memref_slice %arg11[%dma_wait3A_68, %dma_wait3A_69] : memref<10112x128xf32, #tpu.memory_space<vmem_shared>> -> memref<10112x128xf32, #tpu.memory_space<vmem_shared>>
          tpu.wait_indirect_dma semaphore(%run_scoped3A : memref<!tpu.dma_semaphore, #tpu.memory_space<semaphore_mem>>) src(%arg9 : memref<80x128xf32, #tpu.memory_space<vmem>>) dst(%dma_wait3A_70 : memref<10112x128xf32, #tpu.memory_space<vmem_shared>>)
          tpu.yield
        }) : () -> ()
        %lt3A = arith.constant 124 : i32
        %lt3A_51 = arith.cmpi slt, %scan3A_28, %lt3A : i32
        %convert_element_type3A_52 = arith.extui %lt3A_51 : i1 to i32
        %cond3A_53 = arith.constant 0 : i32
        %cond3A_54 = arith.cmpi ne, %convert_element_type3A_52, %cond3A_53 : i32
        scf.if %cond3A_54 {
          %mul3A_65 = arith.constant 2 : i32
          %mul3A_66 = arith.muli %mul3A_65, %scan3A_28 : i32
          %add3A_67 = arith.constant 2 : i32
          %add3A_68 = arith.addi %mul3A_66, %add3A_67 : i32
          %mul3A_69 = arith.constant 80 : i32
          %mul3A_70 = arith.muli %add3A_68, %mul3A_69 : i32
          %add3A_71 = arith.addi %mul3A_0, %mul3A_70 : i32
          %dma_start3A_72 = tpu.memref_slice %arg4[%add3A_71] : memref<320000xi32, #tpu.memory_space<hbm>> -> memref<80xi32, #tpu.memory_space<hbm>>
          %dma_start3A_73 = tpu.memref_slice %arg4[%add3A_71] : memref<320000xi32, #tpu.memory_space<hbm>> -> memref<80xi32, #tpu.memory_space<hbm>>
          tpu.enqueue_dma source(%dma_start3A_73 : memref<80xi32, #tpu.memory_space<hbm>>) target(%arg7 : memref<80xi32, #tpu.memory_space<vmem>>) target_semaphore(%arg12 : memref<!tpu.dma_semaphore, #tpu.memory_space<semaphore_mem>>)
          %dma_start3A_74 = arith.constant 0 : i32
          %dma_start3A_75 = tpu.memref_slice %arg2[%add3A_71, %dma_start3A_74] : memref<320000x128xf32, #tpu.memory_space<hbm>> -> memref<80x128xf32, #tpu.memory_space<hbm>>
          %dma_start3A_76 = arith.constant 0 : i32
          %dma_start3A_77 = tpu.memref_slice %arg2[%add3A_71, %dma_start3A_76] : memref<320000x128xf32, #tpu.memory_space<hbm>> -> memref<80x128xf32, #tpu.memory_space<hbm>>
          tpu.enqueue_dma source(%dma_start3A_77 : memref<80x128xf32, #tpu.memory_space<hbm>>) target(%arg9 : memref<80x128xf32, #tpu.memory_space<vmem>>) target_semaphore(%arg12 : memref<!tpu.dma_semaphore, #tpu.memory_space<semaphore_mem>>)
        } else {
        }
        %dma_wait3A_55 = arith.constant 0 : i32
        %dma_wait3A_56 = tpu.memref_slice %arg4[%dma_wait3A_55] : memref<320000xi32, #tpu.memory_space<hbm>> -> memref<80xi32, #tpu.memory_space<hbm>>
        %dma_wait3A_57 = arith.constant 0 : i32
        %dma_wait3A_58 = tpu.memref_slice %arg4[%dma_wait3A_57] : memref<320000xi32, #tpu.memory_space<hbm>> -> memref<80xi32, #tpu.memory_space<hbm>>
        tpu.wait_dma2 semaphore(%arg13 : memref<!tpu.dma_semaphore, #tpu.memory_space<semaphore_mem>>) src(%dma_wait3A_58 : memref<80xi32, #tpu.memory_space<hbm>>) dst(%arg8 : memref<80xi32, #tpu.memory_space<vmem>>)
        %dma_wait3A_59 = arith.constant 0 : i32
        %dma_wait3A_60 = arith.constant 0 : i32
        %dma_wait3A_61 = tpu.memref_slice %arg2[%dma_wait3A_59, %dma_wait3A_60] : memref<320000x128xf32, #tpu.memory_space<hbm>> -> memref<80x128xf32, #tpu.memory_space<hbm>>
        %dma_wait3A_62 = arith.constant 0 : i32
        %dma_wait3A_63 = arith.constant 0 : i32
        %dma_wait3A_64 = tpu.memref_slice %arg2[%dma_wait3A_62, %dma_wait3A_63] : memref<320000x128xf32, #tpu.memory_space<hbm>> -> memref<80x128xf32, #tpu.memory_space<hbm>>
        tpu.wait_dma2 semaphore(%arg13 : memref<!tpu.dma_semaphore, #tpu.memory_space<semaphore_mem>>) src(%dma_wait3A_64 : memref<80x128xf32, #tpu.memory_space<hbm>>) dst(%arg10 : memref<80x128xf32, #tpu.memory_space<vmem>>)
        "tpu.region"() ({
          %run_scoped3A = tpu.sem_alloc : memref<!tpu.dma_semaphore, #tpu.memory_space<semaphore_mem>>
          %dma_start3A_65 = arith.constant 0 : i32
          %dma_start3A_66 = arith.constant 0 : i32
          %dma_start3A_67 = tpu.memref_slice %arg11[%dma_start3A_65, %dma_start3A_66] : memref<10112x128xf32, #tpu.memory_space<vmem_shared>> -> memref<10112x128xf32, #tpu.memory_space<vmem_shared>>
          tpu.enqueue_indirect_dma source(%arg10 : memref<80x128xf32, #tpu.memory_space<vmem>>) target(%dma_start3A_67 : memref<10112x128xf32, #tpu.memory_space<vmem_shared>>) offsets(%arg8 : memref<80xi32, #tpu.memory_space<vmem>>) semaphore(%run_scoped3A : memref<!tpu.dma_semaphore, #tpu.memory_space<semaphore_mem>>) {add = true}
          %dma_wait3A_68 = arith.constant 0 : i32
          %dma_wait3A_69 = arith.constant 0 : i32
          %dma_wait3A_70 = tpu.memref_slice %arg11[%dma_wait3A_68, %dma_wait3A_69] : memref<10112x128xf32, #tpu.memory_space<vmem_shared>> -> memref<10112x128xf32, #tpu.memory_space<vmem_shared>>
          tpu.wait_indirect_dma semaphore(%run_scoped3A : memref<!tpu.dma_semaphore, #tpu.memory_space<semaphore_mem>>) src(%arg10 : memref<80x128xf32, #tpu.memory_space<vmem>>) dst(%dma_wait3A_70 : memref<10112x128xf32, #tpu.memory_space<vmem_shared>>)
          tpu.yield
        }) : () -> ()
      }
      %scan3A_27 = arith.constant 125 : i32
    } else {
    }
    %eq3A_7 = arith.constant 1 : i32
    %eq3A_8 = arith.cmpi eq, %arg0, %eq3A_7 : i32
    %convert_element_type3A_9 = arith.extui %eq3A_8 : i1 to i32
    %cond3A_10 = arith.constant 0 : i32
    %cond3A_11 = arith.cmpi ne, %convert_element_type3A_9, %cond3A_10 : i32
    scf.if %cond3A_11 {
      %add3A = arith.constant 0 : i32
      %add3A_17 = arith.addi %mul3A_0, %add3A : i32
      %dma_start3A = tpu.memref_slice %arg4[%add3A_17] : memref<320000xi32, #tpu.memory_space<hbm>> -> memref<80xi32, #tpu.memory_space<hbm>>
      %dma_start3A_18 = tpu.memref_slice %arg4[%add3A_17] : memref<320000xi32, #tpu.memory_space<hbm>> -> memref<80xi32, #tpu.memory_space<hbm>>
      tpu.enqueue_dma source(%dma_start3A_18 : memref<80xi32, #tpu.memory_space<hbm>>) target(%arg7 : memref<80xi32, #tpu.memory_space<vmem>>) target_semaphore(%arg12 : memref<!tpu.dma_semaphore, #tpu.memory_space<semaphore_mem>>)
      %dma_start3A_19 = arith.constant 0 : i32
      %dma_start3A_20 = tpu.memref_slice %arg3[%add3A_17, %dma_start3A_19] : memref<320000x128xf32, #tpu.memory_space<hbm>> -> memref<80x128xf32, #tpu.memory_space<hbm>>
      %dma_start3A_21 = arith.constant 0 : i32
      %dma_start3A_22 = tpu.memref_slice %arg3[%add3A_17, %dma_start3A_21] : memref<320000x128xf32, #tpu.memory_space<hbm>> -> memref<80x128xf32, #tpu.memory_space<hbm>>
      tpu.enqueue_dma source(%dma_start3A_22 : memref<80x128xf32, #tpu.memory_space<hbm>>) target(%arg9 : memref<80x128xf32, #tpu.memory_space<vmem>>) target_semaphore(%arg12 : memref<!tpu.dma_semaphore, #tpu.memory_space<semaphore_mem>>)
      %scan3A = arith.constant 0 : i32
      %scan3A_23 = arith.constant 0 : i32
      %scan3A_24 = arith.constant 125 : i32
      %scan3A_25 = arith.addi %scan3A_23, %scan3A_24 : i32
      %scan3A_26 = arith.constant 1 : i32
      scf.for %scan3A_28 = %scan3A_23 to %scan3A_25 step %scan3A_26  : i32 {
        %mul3A_29 = arith.constant 2 : i32
        %mul3A_30 = arith.muli %mul3A_29, %scan3A_28 : i32
        %add3A_31 = arith.constant 1 : i32
        %add3A_32 = arith.addi %mul3A_30, %add3A_31 : i32
        %mul3A_33 = arith.constant 80 : i32
        %mul3A_34 = arith.muli %add3A_32, %mul3A_33 : i32
        %add3A_35 = arith.addi %mul3A_0, %mul3A_34 : i32
        %dma_start3A_36 = tpu.memref_slice %arg4[%add3A_35] : memref<320000xi32, #tpu.memory_space<hbm>> -> memref<80xi32, #tpu.memory_space<hbm>>
        %dma_start3A_37 = tpu.memref_slice %arg4[%add3A_35] : memref<320000xi32, #tpu.memory_space<hbm>> -> memref<80xi32, #tpu.memory_space<hbm>>
        tpu.enqueue_dma source(%dma_start3A_37 : memref<80xi32, #tpu.memory_space<hbm>>) target(%arg8 : memref<80xi32, #tpu.memory_space<vmem>>) target_semaphore(%arg13 : memref<!tpu.dma_semaphore, #tpu.memory_space<semaphore_mem>>)
        %dma_start3A_38 = arith.constant 0 : i32
        %dma_start3A_39 = tpu.memref_slice %arg3[%add3A_35, %dma_start3A_38] : memref<320000x128xf32, #tpu.memory_space<hbm>> -> memref<80x128xf32, #tpu.memory_space<hbm>>
        %dma_start3A_40 = arith.constant 0 : i32
        %dma_start3A_41 = tpu.memref_slice %arg3[%add3A_35, %dma_start3A_40] : memref<320000x128xf32, #tpu.memory_space<hbm>> -> memref<80x128xf32, #tpu.memory_space<hbm>>
        tpu.enqueue_dma source(%dma_start3A_41 : memref<80x128xf32, #tpu.memory_space<hbm>>) target(%arg10 : memref<80x128xf32, #tpu.memory_space<vmem>>) target_semaphore(%arg13 : memref<!tpu.dma_semaphore, #tpu.memory_space<semaphore_mem>>)
        %dma_wait3A = arith.constant 0 : i32
        %dma_wait3A_42 = tpu.memref_slice %arg4[%dma_wait3A] : memref<320000xi32, #tpu.memory_space<hbm>> -> memref<80xi32, #tpu.memory_space<hbm>>
        %dma_wait3A_43 = arith.constant 0 : i32
        %dma_wait3A_44 = tpu.memref_slice %arg4[%dma_wait3A_43] : memref<320000xi32, #tpu.memory_space<hbm>> -> memref<80xi32, #tpu.memory_space<hbm>>
        tpu.wait_dma2 semaphore(%arg12 : memref<!tpu.dma_semaphore, #tpu.memory_space<semaphore_mem>>) src(%dma_wait3A_44 : memref<80xi32, #tpu.memory_space<hbm>>) dst(%arg7 : memref<80xi32, #tpu.memory_space<vmem>>)
        %dma_wait3A_45 = arith.constant 0 : i32
        %dma_wait3A_46 = arith.constant 0 : i32
        %dma_wait3A_47 = tpu.memref_slice %arg3[%dma_wait3A_45, %dma_wait3A_46] : memref<320000x128xf32, #tpu.memory_space<hbm>> -> memref<80x128xf32, #tpu.memory_space<hbm>>
        %dma_wait3A_48 = arith.constant 0 : i32
        %dma_wait3A_49 = arith.constant 0 : i32
        %dma_wait3A_50 = tpu.memref_slice %arg3[%dma_wait3A_48, %dma_wait3A_49] : memref<320000x128xf32, #tpu.memory_space<hbm>> -> memref<80x128xf32, #tpu.memory_space<hbm>>
        tpu.wait_dma2 semaphore(%arg12 : memref<!tpu.dma_semaphore, #tpu.memory_space<semaphore_mem>>) src(%dma_wait3A_50 : memref<80x128xf32, #tpu.memory_space<hbm>>) dst(%arg9 : memref<80x128xf32, #tpu.memory_space<vmem>>)
        "tpu.region"() ({
          %run_scoped3A = tpu.sem_alloc : memref<!tpu.dma_semaphore, #tpu.memory_space<semaphore_mem>>
          %dma_start3A_65 = arith.constant 0 : i32
          %dma_start3A_66 = arith.constant 0 : i32
          %dma_start3A_67 = tpu.memref_slice %arg11[%dma_start3A_65, %dma_start3A_66] : memref<10112x128xf32, #tpu.memory_space<vmem_shared>> -> memref<10112x128xf32, #tpu.memory_space<vmem_shared>>
          tpu.enqueue_indirect_dma source(%arg9 : memref<80x128xf32, #tpu.memory_space<vmem>>) target(%dma_start3A_67 : memref<10112x128xf32, #tpu.memory_space<vmem_shared>>) offsets(%arg7 : memref<80xi32, #tpu.memory_space<vmem>>) semaphore(%run_scoped3A : memref<!tpu.dma_semaphore, #tpu.memory_space<semaphore_mem>>) {add = true}
          %dma_wait3A_68 = arith.constant 0 : i32
          %dma_wait3A_69 = arith.constant 0 : i32
          %dma_wait3A_70 = tpu.memref_slice %arg11[%dma_wait3A_68, %dma_wait3A_69] : memref<10112x128xf32, #tpu.memory_space<vmem_shared>> -> memref<10112x128xf32, #tpu.memory_space<vmem_shared>>
          tpu.wait_indirect_dma semaphore(%run_scoped3A : memref<!tpu.dma_semaphore, #tpu.memory_space<semaphore_mem>>) src(%arg9 : memref<80x128xf32, #tpu.memory_space<vmem>>) dst(%dma_wait3A_70 : memref<10112x128xf32, #tpu.memory_space<vmem_shared>>)
          tpu.yield
        }) : () -> ()
        %lt3A = arith.constant 124 : i32
        %lt3A_51 = arith.cmpi slt, %scan3A_28, %lt3A : i32
        %convert_element_type3A_52 = arith.extui %lt3A_51 : i1 to i32
        %cond3A_53 = arith.constant 0 : i32
        %cond3A_54 = arith.cmpi ne, %convert_element_type3A_52, %cond3A_53 : i32
        scf.if %cond3A_54 {
          %mul3A_65 = arith.constant 2 : i32
          %mul3A_66 = arith.muli %mul3A_65, %scan3A_28 : i32
          %add3A_67 = arith.constant 2 : i32
          %add3A_68 = arith.addi %mul3A_66, %add3A_67 : i32
          %mul3A_69 = arith.constant 80 : i32
          %mul3A_70 = arith.muli %add3A_68, %mul3A_69 : i32
          %add3A_71 = arith.addi %mul3A_0, %mul3A_70 : i32
          %dma_start3A_72 = tpu.memref_slice %arg4[%add3A_71] : memref<320000xi32, #tpu.memory_space<hbm>> -> memref<80xi32, #tpu.memory_space<hbm>>
          %dma_start3A_73 = tpu.memref_slice %arg4[%add3A_71] : memref<320000xi32, #tpu.memory_space<hbm>> -> memref<80xi32, #tpu.memory_space<hbm>>
          tpu.enqueue_dma source(%dma_start3A_73 : memref<80xi32, #tpu.memory_space<hbm>>) target(%arg7 : memref<80xi32, #tpu.memory_space<vmem>>) target_semaphore(%arg12 : memref<!tpu.dma_semaphore, #tpu.memory_space<semaphore_mem>>)
          %dma_start3A_74 = arith.constant 0 : i32
          %dma_start3A_75 = tpu.memref_slice %arg3[%add3A_71, %dma_start3A_74] : memref<320000x128xf32, #tpu.memory_space<hbm>> -> memref<80x128xf32, #tpu.memory_space<hbm>>
          %dma_start3A_76 = arith.constant 0 : i32
          %dma_start3A_77 = tpu.memref_slice %arg3[%add3A_71, %dma_start3A_76] : memref<320000x128xf32, #tpu.memory_space<hbm>> -> memref<80x128xf32, #tpu.memory_space<hbm>>
          tpu.enqueue_dma source(%dma_start3A_77 : memref<80x128xf32, #tpu.memory_space<hbm>>) target(%arg9 : memref<80x128xf32, #tpu.memory_space<vmem>>) target_semaphore(%arg12 : memref<!tpu.dma_semaphore, #tpu.memory_space<semaphore_mem>>)
        } else {
        }
        %dma_wait3A_55 = arith.constant 0 : i32
        %dma_wait3A_56 = tpu.memref_slice %arg4[%dma_wait3A_55] : memref<320000xi32, #tpu.memory_space<hbm>> -> memref<80xi32, #tpu.memory_space<hbm>>
        %dma_wait3A_57 = arith.constant 0 : i32
        %dma_wait3A_58 = tpu.memref_slice %arg4[%dma_wait3A_57] : memref<320000xi32, #tpu.memory_space<hbm>> -> memref<80xi32, #tpu.memory_space<hbm>>
        tpu.wait_dma2 semaphore(%arg13 : memref<!tpu.dma_semaphore, #tpu.memory_space<semaphore_mem>>) src(%dma_wait3A_58 : memref<80xi32, #tpu.memory_space<hbm>>) dst(%arg8 : memref<80xi32, #tpu.memory_space<vmem>>)
        %dma_wait3A_59 = arith.constant 0 : i32
        %dma_wait3A_60 = arith.constant 0 : i32
        %dma_wait3A_61 = tpu.memref_slice %arg3[%dma_wait3A_59, %dma_wait3A_60] : memref<320000x128xf32, #tpu.memory_space<hbm>> -> memref<80x128xf32, #tpu.memory_space<hbm>>
        %dma_wait3A_62 = arith.constant 0 : i32
        %dma_wait3A_63 = arith.constant 0 : i32
        %dma_wait3A_64 = tpu.memref_slice %arg3[%dma_wait3A_62, %dma_wait3A_63] : memref<320000x128xf32, #tpu.memory_space<hbm>> -> memref<80x128xf32, #tpu.memory_space<hbm>>
        tpu.wait_dma2 semaphore(%arg13 : memref<!tpu.dma_semaphore, #tpu.memory_space<semaphore_mem>>) src(%dma_wait3A_64 : memref<80x128xf32, #tpu.memory_space<hbm>>) dst(%arg10 : memref<80x128xf32, #tpu.memory_space<vmem>>)
        "tpu.region"() ({
          %run_scoped3A = tpu.sem_alloc : memref<!tpu.dma_semaphore, #tpu.memory_space<semaphore_mem>>
          %dma_start3A_65 = arith.constant 0 : i32
          %dma_start3A_66 = arith.constant 0 : i32
          %dma_start3A_67 = tpu.memref_slice %arg11[%dma_start3A_65, %dma_start3A_66] : memref<10112x128xf32, #tpu.memory_space<vmem_shared>> -> memref<10112x128xf32, #tpu.memory_space<vmem_shared>>
          tpu.enqueue_indirect_dma source(%arg10 : memref<80x128xf32, #tpu.memory_space<vmem>>) target(%dma_start3A_67 : memref<10112x128xf32, #tpu.memory_space<vmem_shared>>) offsets(%arg8 : memref<80xi32, #tpu.memory_space<vmem>>) semaphore(%run_scoped3A : memref<!tpu.dma_semaphore, #tpu.memory_space<semaphore_mem>>) {add = true}
          %dma_wait3A_68 = arith.constant 0 : i32
          %dma_wait3A_69 = arith.constant 0 : i32
          %dma_wait3A_70 = tpu.memref_slice %arg11[%dma_wait3A_68, %dma_wait3A_69] : memref<10112x128xf32, #tpu.memory_space<vmem_shared>> -> memref<10112x128xf32, #tpu.memory_space<vmem_shared>>
          tpu.wait_indirect_dma semaphore(%run_scoped3A : memref<!tpu.dma_semaphore, #tpu.memory_space<semaphore_mem>>) src(%arg10 : memref<80x128xf32, #tpu.memory_space<vmem>>) dst(%dma_wait3A_70 : memref<10112x128xf32, #tpu.memory_space<vmem_shared>>)
          tpu.yield
        }) : () -> ()
      }
      %scan3A_27 = arith.constant 125 : i32
    } else {
    }
    %barrier3A_12 = arith.constant 0 : index
    tpu.barrier barrier_id(%barrier3A_12)
    %mul3A_13 = arith.constant 632 : i32
    %mul3A_14 = arith.muli %arg1, %mul3A_13 : i32
    %mul3A_15 = arith.constant 632 : i32
    %mul3A_16 = arith.muli %arg1, %mul3A_15 : i32
    "tpu.region"() ({
      %run_scoped3A = tpu.sem_alloc : memref<!tpu.dma_semaphore, #tpu.memory_space<semaphore_mem>>
      %dma_start3A = arith.constant 0 : i32
      %dma_start3A_17 = arith.constant 0 : i32
      %dma_start3A_18 = tpu.memref_slice %arg6[%arg0, %dma_start3A, %dma_start3A_17] : memref<2x10112x128xf32, #tpu.memory_space<hbm>> -> memref<1x10112x128xf32, #tpu.memory_space<hbm>>
      %dma_start3A_19 = tpu.memref_squeeze %dma_start3A_18 : memref<1x10112x128xf32, #tpu.memory_space<hbm>> -> memref<10112x128xf32, #tpu.memory_space<hbm>>
      %dma_start3A_20 = arith.constant 0 : i32
      %dma_start3A_21 = tpu.memref_slice %dma_start3A_19[%mul3A_16, %dma_start3A_20] : memref<10112x128xf32, #tpu.memory_space<hbm>> -> memref<632x128xf32, #tpu.memory_space<hbm>>
      %dma_start3A_22 = arith.constant 0 : i32
      %dma_start3A_23 = tpu.memref_slice %arg11[%mul3A_14, %dma_start3A_22] : memref<10112x128xf32, #tpu.memory_space<vmem_shared>> -> memref<632x128xf32, #tpu.memory_space<vmem_shared>>
      tpu.enqueue_dma source(%dma_start3A_23 : memref<632x128xf32, #tpu.memory_space<vmem_shared>>) target(%dma_start3A_21 : memref<632x128xf32, #tpu.memory_space<hbm>>) target_semaphore(%run_scoped3A : memref<!tpu.dma_semaphore, #tpu.memory_space<semaphore_mem>>)
      %dma_wait3A = arith.constant 0 : i32
      %dma_wait3A_24 = arith.constant 0 : i32
      %dma_wait3A_25 = tpu.memref_slice %arg6[%arg0, %dma_wait3A, %dma_wait3A_24] : memref<2x10112x128xf32, #tpu.memory_space<hbm>> -> memref<1x10112x128xf32, #tpu.memory_space<hbm>>
      %dma_wait3A_26 = tpu.memref_squeeze %dma_wait3A_25 : memref<1x10112x128xf32, #tpu.memory_space<hbm>> -> memref<10112x128xf32, #tpu.memory_space<hbm>>
      %dma_wait3A_27 = arith.constant 0 : i32
      %dma_wait3A_28 = tpu.memref_slice %dma_wait3A_26[%mul3A_16, %dma_wait3A_27] : memref<10112x128xf32, #tpu.memory_space<hbm>> -> memref<632x128xf32, #tpu.memory_space<hbm>>
      %dma_wait3A_29 = arith.constant 0 : i32
      %dma_wait3A_30 = tpu.memref_slice %arg11[%mul3A_14, %dma_wait3A_29] : memref<10112x128xf32, #tpu.memory_space<vmem_shared>> -> memref<632x128xf32, #tpu.memory_space<vmem_shared>>
      tpu.wait_dma2 semaphore(%run_scoped3A : memref<!tpu.dma_semaphore, #tpu.memory_space<semaphore_mem>>) src(%dma_wait3A_30 : memref<632x128xf32, #tpu.memory_space<vmem_shared>>) dst(%dma_wait3A_28 : memref<632x128xf32, #tpu.memory_space<hbm>>)
      tpu.yield
    }) : () -> ()
    return
  }
}

module attributes {stable_mosaic.version = 14 : i64} {
  func.func @_node_mlp_kernel(%arg0: i32, %arg1: memref<400x128xf32, #tpu.memory_space<vmem>>, %arg2: memref<128x128xf32, #tpu.memory_space<vmem>>, %arg3: memref<1x128xf32, #tpu.memory_space<vmem>>, %arg4: memref<1x128xf32, #tpu.memory_space<vmem>>, %arg5: memref<1x128xf32, #tpu.memory_space<vmem>>, %arg6: memref<128x128xf32, #tpu.memory_space<vmem>>, %arg7: memref<1x128xf32, #tpu.memory_space<vmem>>, %arg8: memref<400x128xf32, #tpu.memory_space<vmem>>) attributes {dimension_semantics = [#tpu.dimension_semantics<arbitrary>], iteration_bounds = array<i64: 25>, scalar_prefetch = 0 : i64, scratch_operands = 0 : i64, tpu.core_type = #tpu.core_type<tc>, window_params = [{transform_indices = @transform_0, window_bounds = array<i64: 400, 128>}, {pipeline_mode = #tpu.pipeline_mode<synchronous>, transform_indices = @transform_1, window_bounds = array<i64: 128, 128>}, {pipeline_mode = #tpu.pipeline_mode<synchronous>, transform_indices = @transform_2, window_bounds = array<i64: 1, 128>}, {pipeline_mode = #tpu.pipeline_mode<synchronous>, transform_indices = @transform_3, window_bounds = array<i64: 1, 128>}, {pipeline_mode = #tpu.pipeline_mode<synchronous>, transform_indices = @transform_4, window_bounds = array<i64: 1, 128>}, {pipeline_mode = #tpu.pipeline_mode<synchronous>, transform_indices = @transform_5, window_bounds = array<i64: 128, 128>}, {pipeline_mode = #tpu.pipeline_mode<synchronous>, transform_indices = @transform_6, window_bounds = array<i64: 1, 128>}, {transform_indices = @transform_7, window_bounds = array<i64: 400, 128>}]} {
    %get3A = arith.constant 0 : index
    %get3A_0 = arith.constant 0 : index
    %get3A_1 = vector.load %arg1[%get3A, %get3A_0] : memref<400x128xf32, #tpu.memory_space<vmem>>, vector<400x128xf32>
    %get3A_2 = arith.constant 0 : index
    %get3A_3 = arith.constant 0 : index
    %get3A_4 = vector.load %arg2[%get3A_2, %get3A_3] : memref<128x128xf32, #tpu.memory_space<vmem>>, vector<128x128xf32>
    %dot_general3A = arith.constant dense<0.000000e+00> : vector<400x128xf32>
    %dot_general3A_5 = tpu.matmul %get3A_1, %get3A_4, %dot_general3A {dimension_numbers = #tpu.dot_dimension_numbers<[1], [0], [0], [1], [0, 0, 1, 1], [], []>, transpose_lhs_hint = false} : vector<400x128xf32>, vector<128x128xf32>, vector<400x128xf32> -> vector<400x128xf32>
    %get3A_6 = arith.constant 0 : index
    %get3A_7 = arith.constant 0 : index
    %get3A_8 = vector.load %arg3[%get3A_6, %get3A_7] : memref<1x128xf32, #tpu.memory_space<vmem>>, vector<1x128xf32>
    %add3A = vector.broadcast %get3A_8 : vector<1x128xf32> to vector<400x128xf32>
    %add3A_9 = arith.addf %dot_general3A_5, %add3A : vector<400x128xf32>
    %reduce_sum3A = arith.constant dense<0.000000e+00> : vector<400xf32>
    %reduce_sum3A_10 = vector.multi_reduction <add>, %add3A_9, %reduce_sum3A [1] : vector<400x128xf32> to vector<400xf32>
    %broadcast_in_dim3A = vector.shape_cast %reduce_sum3A_10 : vector<400xf32> to vector<400x1xf32>
    %div3A = arith.constant 1.280000e+02 : f32
    %div3A_11 = vector.broadcast %div3A : f32 to vector<400x1xf32>
    %div3A_12 = arith.divf %broadcast_in_dim3A, %div3A_11 : vector<400x1xf32>
    %sub3A = vector.broadcast %div3A_12 : vector<400x1xf32> to vector<400x128xf32>
    %sub3A_13 = arith.subf %add3A_9, %sub3A : vector<400x128xf32>
    %integer_pow3A = arith.mulf %sub3A_13, %sub3A_13 : vector<400x128xf32>
    %reduce_sum3A_14 = arith.constant dense<0.000000e+00> : vector<400xf32>
    %reduce_sum3A_15 = vector.multi_reduction <add>, %integer_pow3A, %reduce_sum3A_14 [1] : vector<400x128xf32> to vector<400xf32>
    %broadcast_in_dim3A_16 = vector.shape_cast %reduce_sum3A_15 : vector<400xf32> to vector<400x1xf32>
    %div3A_17 = arith.constant 1.280000e+02 : f32
    %div3A_18 = vector.broadcast %div3A_17 : f32 to vector<400x1xf32>
    %div3A_19 = arith.divf %broadcast_in_dim3A_16, %div3A_18 : vector<400x1xf32>
    %sub3A_20 = vector.broadcast %div3A_12 : vector<400x1xf32> to vector<400x128xf32>
    %sub3A_21 = arith.subf %add3A_9, %sub3A_20 : vector<400x128xf32>
    %add3A_22 = arith.constant 9.99999974E-6 : f32
    %add3A_23 = vector.broadcast %add3A_22 : f32 to vector<400x1xf32>
    %add3A_24 = arith.addf %div3A_19, %add3A_23 : vector<400x1xf32>
    %rsqrt3A = math.rsqrt %add3A_24 : vector<400x1xf32>
    %mul3A = vector.broadcast %rsqrt3A : vector<400x1xf32> to vector<400x128xf32>
    %mul3A_25 = arith.mulf %sub3A_21, %mul3A : vector<400x128xf32>
    %get3A_26 = arith.constant 0 : index
    %get3A_27 = arith.constant 0 : index
    %get3A_28 = vector.load %arg4[%get3A_26, %get3A_27] : memref<1x128xf32, #tpu.memory_space<vmem>>, vector<1x128xf32>
    %mul3A_29 = vector.broadcast %get3A_28 : vector<1x128xf32> to vector<400x128xf32>
    %mul3A_30 = arith.mulf %mul3A_25, %mul3A_29 : vector<400x128xf32>
    %get3A_31 = arith.constant 0 : index
    %get3A_32 = arith.constant 0 : index
    %get3A_33 = vector.load %arg5[%get3A_31, %get3A_32] : memref<1x128xf32, #tpu.memory_space<vmem>>, vector<1x128xf32>
    %add3A_34 = vector.broadcast %get3A_33 : vector<1x128xf32> to vector<400x128xf32>
    %add3A_35 = arith.addf %mul3A_30, %add3A_34 : vector<400x128xf32>
    %max3A = arith.constant 0.000000e+00 : f32
    %max3A_36 = vector.broadcast %max3A : f32 to vector<400x128xf32>
    %max3A_37 = arith.maximumf %add3A_35, %max3A_36 : vector<400x128xf32>
    %get3A_38 = arith.constant 0 : index
    %get3A_39 = arith.constant 0 : index
    %get3A_40 = vector.load %arg6[%get3A_38, %get3A_39] : memref<128x128xf32, #tpu.memory_space<vmem>>, vector<128x128xf32>
    %dot_general3A_41 = arith.constant dense<0.000000e+00> : vector<400x128xf32>
    %dot_general3A_42 = tpu.matmul %max3A_37, %get3A_40, %dot_general3A_41 {dimension_numbers = #tpu.dot_dimension_numbers<[1], [0], [0], [1], [0, 0, 1, 1], [], []>, transpose_lhs_hint = false} : vector<400x128xf32>, vector<128x128xf32>, vector<400x128xf32> -> vector<400x128xf32>
    %get3A_43 = arith.constant 0 : index
    %get3A_44 = arith.constant 0 : index
    %get3A_45 = vector.load %arg7[%get3A_43, %get3A_44] : memref<1x128xf32, #tpu.memory_space<vmem>>, vector<1x128xf32>
    %add3A_46 = vector.broadcast %get3A_45 : vector<1x128xf32> to vector<400x128xf32>
    %add3A_47 = arith.addf %dot_general3A_42, %add3A_46 : vector<400x128xf32>
    %swap3A = arith.constant 0 : index
    %swap3A_48 = arith.constant 0 : index
    %swap3A_49 = vector.load %arg8[%swap3A, %swap3A_48] : memref<400x128xf32, #tpu.memory_space<vmem>>, vector<400x128xf32>
    tpu.vector_store %arg8[%swap3A, %swap3A_48], %add3A_47 {strides = array<i32>} : memref<400x128xf32, #tpu.memory_space<vmem>>, vector<400x128xf32>,
    return
  }
  func.func @transform_0(%arg0: i32) -> (i32, i32) {
    %c0_i32 = arith.constant 0 : i32
    %c0_i32_0 = arith.constant 0 : i32
    return %arg0, %c0_i32 : i32, i32
  }
  func.func @transform_1(%arg0: i32) -> (i32, i32) {
    %c0_i32 = arith.constant 0 : i32
    %c0_i32_0 = arith.constant 0 : i32
    %c0_i32_1 = arith.constant 0 : i32
    return %c0_i32, %c0_i32_0 : i32, i32
  }
  func.func @transform_2(%arg0: i32) -> (i32, i32) {
    %c0_i32 = arith.constant 0 : i32
    %c0_i32_0 = arith.constant 0 : i32
    %c0_i32_1 = arith.constant 0 : i32
    return %c0_i32, %c0_i32_0 : i32, i32
  }
  func.func @transform_3(%arg0: i32) -> (i32, i32) {
    %c0_i32 = arith.constant 0 : i32
    %c0_i32_0 = arith.constant 0 : i32
    %c0_i32_1 = arith.constant 0 : i32
    return %c0_i32, %c0_i32_0 : i32, i32
  }
  func.func @transform_4(%arg0: i32) -> (i32, i32) {
    %c0_i32 = arith.constant 0 : i32
    %c0_i32_0 = arith.constant 0 : i32
    %c0_i32_1 = arith.constant 0 : i32
    return %c0_i32, %c0_i32_0 : i32, i32
  }
  func.func @transform_5(%arg0: i32) -> (i32, i32) {
    %c0_i32 = arith.constant 0 : i32
    %c0_i32_0 = arith.constant 0 : i32
    %c0_i32_1 = arith.constant 0 : i32
    return %c0_i32, %c0_i32_0 : i32, i32
  }
  func.func @transform_6(%arg0: i32) -> (i32, i32) {
    %c0_i32 = arith.constant 0 : i32
    %c0_i32_0 = arith.constant 0 : i32
    %c0_i32_1 = arith.constant 0 : i32
    return %c0_i32, %c0_i32_0 : i32, i32
  }
  func.func @transform_7(%arg0: i32) -> (i32, i32) {
    %c0_i32 = arith.constant 0 : i32
    %c0_i32_0 = arith.constant 0 : i32
    return %arg0, %c0_i32 : i32, i32
  }
}

module attributes {stable_mosaic.version = 14 : i64} {
  func.func @_edge_kernel(%arg0: i32, %arg1: memref<1280x128xf32, #tpu.memory_space<vmem>>, %arg2: memref<1280x128xf32, #tpu.memory_space<vmem>>, %arg3: memref<1280x128xf32, #tpu.memory_space<vmem>>, %arg4: memref<1280x128xf32, #tpu.memory_space<vmem>>, %arg5: memref<1280x128xf32, #tpu.memory_space<vmem>>, %arg6: memref<1280x4xf32, #tpu.memory_space<vmem>>, %arg7: memref<1280x1xf32, #tpu.memory_space<vmem>>, %arg8: memref<128x256xbf16, #tpu.memory_space<vmem>>, %arg9: memref<128x256xbf16, #tpu.memory_space<vmem>>, %arg10: memref<4x256xbf16, #tpu.memory_space<vmem>>, %arg11: memref<80x256xbf16, #tpu.memory_space<vmem>>, %arg12: memref<4x80xf32, #tpu.memory_space<vmem>>, %arg13: memref<1x256xf32, #tpu.memory_space<vmem>>, %arg14: memref<1x256xf32, #tpu.memory_space<vmem>>, %arg15: memref<1x256xf32, #tpu.memory_space<vmem>>, %arg16: memref<256x256xbf16, #tpu.memory_space<vmem>>, %arg17: memref<1x256xf32, #tpu.memory_space<vmem>>, %arg18: memref<128x128xbf16, #tpu.memory_space<vmem>>, %arg19: memref<1280x128xf32, #tpu.memory_space<vmem>>, %arg20: memref<1280x128xf32, #tpu.memory_space<vmem>>) attributes {dimension_semantics = [#tpu.dimension_semantics<arbitrary>], iteration_bounds = array<i64: 250>, scalar_prefetch = 0 : i64, scratch_operands = 0 : i64, tpu.core_type = #tpu.core_type<tc>, window_params = [{transform_indices = @transform_0, window_bounds = array<i64: 1280, 128>}, {transform_indices = @transform_1, window_bounds = array<i64: 1280, 128>}, {transform_indices = @transform_2, window_bounds = array<i64: 1280, 128>}, {transform_indices = @transform_3, window_bounds = array<i64: 1280, 128>}, {transform_indices = @transform_4, window_bounds = array<i64: 1280, 128>}, {transform_indices = @transform_5, window_bounds = array<i64: 1280, 4>}, {transform_indices = @transform_6, window_bounds = array<i64: 1280, 1>}, {pipeline_mode = #tpu.pipeline_mode<synchronous>, transform_indices = @transform_7, window_bounds = array<i64: 128, 256>}, {pipeline_mode = #tpu.pipeline_mode<synchronous>, transform_indices = @transform_8, window_bounds = array<i64: 128, 256>}, {pipeline_mode = #tpu.pipeline_mode<synchronous>, transform_indices = @transform_9, window_bounds = array<i64: 4, 256>}, {pipeline_mode = #tpu.pipeline_mode<synchronous>, transform_indices = @transform_10, window_bounds = array<i64: 80, 256>}, {pipeline_mode = #tpu.pipeline_mode<synchronous>, transform_indices = @transform_11, window_bounds = array<i64: 4, 80>}, {pipeline_mode = #tpu.pipeline_mode<synchronous>, transform_indices = @transform_12, window_bounds = array<i64: 1, 256>}, {pipeline_mode = #tpu.pipeline_mode<synchronous>, transform_indices = @transform_13, window_bounds = array<i64: 1, 256>}, {pipeline_mode = #tpu.pipeline_mode<synchronous>, transform_indices = @transform_14, window_bounds = array<i64: 1, 256>}, {pipeline_mode = #tpu.pipeline_mode<synchronous>, transform_indices = @transform_15, window_bounds = array<i64: 256, 256>}, {pipeline_mode = #tpu.pipeline_mode<synchronous>, transform_indices = @transform_16, window_bounds = array<i64: 1, 256>}, {pipeline_mode = #tpu.pipeline_mode<synchronous>, transform_indices = @transform_17, window_bounds = array<i64: 128, 128>}, {transform_indices = @transform_18, window_bounds = array<i64: 1280, 128>}, {transform_indices = @transform_19, window_bounds = array<i64: 1280, 128>}]} {
    %get3A = arith.constant 0 : index
    %get3A_0 = arith.constant 0 : index
    %get3A_1 = vector.load %arg1[%get3A, %get3A_0] : memref<1280x128xf32, #tpu.memory_space<vmem>>, vector<1280x128xf32>
    %convert_element_type3A = arith.truncf %get3A_1 : vector<1280x128xf32> to vector<1280x128xbf16>
    %get3A_2 = arith.constant 0 : index
    %get3A_3 = arith.constant 0 : index
    %get3A_4 = vector.load %arg2[%get3A_2, %get3A_3] : memref<1280x128xf32, #tpu.memory_space<vmem>>, vector<1280x128xf32>
    %get3A_5 = arith.constant 0 : index
    %get3A_6 = arith.constant 0 : index
    %get3A_7 = vector.load %arg4[%get3A_5, %get3A_6] : memref<1280x128xf32, #tpu.memory_space<vmem>>, vector<1280x128xf32>
    %convert_element_type3A_8 = arith.truncf %get3A_7 : vector<1280x128xf32> to vector<1280x128xbf16>
    %get3A_9 = arith.constant 0 : index
    %get3A_10 = arith.constant 0 : index
    %get3A_11 = vector.load %arg3[%get3A_9, %get3A_10] : memref<1280x128xf32, #tpu.memory_space<vmem>>, vector<1280x16xf32>
    %get3A_12 = arith.constant 0 : index
    %get3A_13 = arith.constant 0 : index
    %get3A_14 = vector.load %arg5[%get3A_12, %get3A_13] : memref<1280x128xf32, #tpu.memory_space<vmem>>, vector<1280x16xf32>
    %sub3A = arith.subf %get3A_11, %get3A_14 : vector<1280x16xf32>
    %broadcast_in_dim3A = arith.constant 1.000000e+00 : f32
    %broadcast_in_dim3A_15 = vector.broadcast %broadcast_in_dim3A : f32 to vector<16x80xf32>
    %mul3A = arith.mulf %sub3A, %sub3A : vector<1280x16xf32>
    %dot_general3A = arith.constant dense<0.000000e+00> : vector<1280x80xf32>
    %dot_general3A_16 = tpu.matmul %mul3A, %broadcast_in_dim3A_15, %dot_general3A {dimension_numbers = #tpu.dot_dimension_numbers<[1], [0], [0], [1], [0, 0, 1, 1], [], []>, transpose_lhs_hint = false} : vector<1280x16xf32>, vector<16x80xf32>, vector<1280x80xf32> -> vector<1280x80xf32>
    %add3A = arith.constant 9.99999996E-13 : f32
    %add3A_17 = vector.broadcast %add3A : f32 to vector<1280x80xf32>
    %add3A_18 = arith.addf %dot_general3A_16, %add3A_17 : vector<1280x80xf32>
    %sqrt3A = math.sqrt %add3A_18 : vector<1280x80xf32>
    %iota3A = tpu.iota {dimensions = array<i32: 1>} : vector<1x80xi32>
    %jit3A = arith.constant 20 : i32
    %eq3A = arith.constant 0 : i32
    %eq3A_19 = arith.cmpi eq, %jit3A, %eq3A : i32
    %jit3A_20 = arith.constant 1 : i32
    %select_n3A = arith.select %eq3A_19, %jit3A_20, %jit3A : i32
    %rem3A = vector.broadcast %select_n3A : i32 to vector<1x80xi32>
    %rem3A_21 = arith.remsi %iota3A, %rem3A : vector<1x80xi32>
    %ne3A = arith.constant 0 : i32
    %ne3A_22 = vector.broadcast %ne3A : i32 to vector<1x80xi32>
    %ne3A_23 = arith.cmpi ne, %rem3A_21, %ne3A_22 : vector<1x80xi32>
    %lt3A = arith.constant 0 : i32
    %lt3A_24 = vector.broadcast %lt3A : i32 to vector<1x80xi32>
    %lt3A_25 = arith.cmpi slt, %rem3A_21, %lt3A_24 : vector<1x80xi32>
    %lt3A_26 = arith.constant 0 : i32
    %lt3A_27 = arith.cmpi slt, %select_n3A, %lt3A_26 : i32
    %ne3A_28 = vector.broadcast %lt3A_27 : i1 to vector<1x80xi1>
    %ne3A_29 = vector.broadcast %ne3A_28 : vector<1x80xi1> to vector<1x80xi1>
    %ne3A_30 = arith.xori %lt3A_25, %ne3A_29 : vector<1x80xi1>
    %and3A = arith.andi %ne3A_30, %ne3A_23 : vector<1x80xi1>
    %add3A_31 = vector.broadcast %select_n3A : i32 to vector<1x80xi32>
    %add3A_32 = arith.addi %rem3A_21, %add3A_31 : vector<1x80xi32>
    %select_n3A_33 = arith.select %and3A, %add3A_32, %rem3A_21 : vector<1x80xi1>, vector<1x80xi32>
    %convert_element_type3A_34 = arith.sitofp %select_n3A_33 : vector<1x80xi32> to vector<1x80xf32>
    %mul3A_35 = arith.constant 0.526315808 : f32
    %mul3A_36 = vector.broadcast %mul3A_35 : f32 to vector<1x80xf32>
    %mul3A_37 = arith.mulf %convert_element_type3A_34, %mul3A_36 : vector<1x80xf32>
    %sub3A_38 = vector.broadcast %mul3A_37 : vector<1x80xf32> to vector<1280x80xf32>
    %sub3A_39 = arith.subf %sqrt3A, %sub3A_38 : vector<1280x80xf32>
    %integer_pow3A = arith.mulf %sub3A_39, %sub3A_39 : vector<1280x80xf32>
    %mul3A_40 = arith.constant -1.805000e+00 : f32
    %mul3A_41 = vector.broadcast %mul3A_40 : f32 to vector<1280x80xf32>
    %mul3A_42 = arith.mulf %mul3A_41, %integer_pow3A : vector<1280x80xf32>
    %exp3A = math.exp %mul3A_42 : vector<1280x80xf32>
    %get3A_43 = arith.constant 0 : index
    %get3A_44 = arith.constant 0 : index
    %get3A_45 = vector.load %arg6[%get3A_43, %get3A_44] : memref<1280x4xf32, #tpu.memory_space<vmem>>, vector<1280x4xf32>
    %get3A_46 = arith.constant 0 : index
    %get3A_47 = arith.constant 0 : index
    %get3A_48 = vector.load %arg12[%get3A_46, %get3A_47] : memref<4x80xf32, #tpu.memory_space<vmem>>, vector<4x80xf32>
    %dot_general3A_49 = arith.constant dense<0.000000e+00> : vector<1280x80xf32>
    %dot_general3A_50 = tpu.matmul %get3A_45, %get3A_48, %dot_general3A_49 {dimension_numbers = #tpu.dot_dimension_numbers<[1], [0], [0], [1], [0, 0, 1, 1], [], []>, transpose_lhs_hint = false} : vector<1280x4xf32>, vector<4x80xf32>, vector<1280x80xf32> -> vector<1280x80xf32>
    %mul3A_51 = arith.mulf %exp3A, %dot_general3A_50 : vector<1280x80xf32>
    %get3A_52 = arith.constant 0 : index
    %get3A_53 = arith.constant 0 : index
    %get3A_54 = vector.load %arg8[%get3A_52, %get3A_53] : memref<128x256xbf16, #tpu.memory_space<vmem>>, vector<128x256xbf16>
    %dot_general3A_55 = arith.constant dense<0.000000e+00> : vector<1280x256xf32>
    %dot_general3A_56 = tpu.matmul %convert_element_type3A, %get3A_54, %dot_general3A_55 {dimension_numbers = #tpu.dot_dimension_numbers<[1], [0], [0], [1], [0, 0, 1, 1], [], []>, transpose_lhs_hint = false} : vector<1280x128xbf16>, vector<128x256xbf16>, vector<1280x256xf32> -> vector<1280x256xf32>
    %get3A_57 = arith.constant 0 : index
    %get3A_58 = arith.constant 0 : index
    %get3A_59 = vector.load %arg9[%get3A_57, %get3A_58] : memref<128x256xbf16, #tpu.memory_space<vmem>>, vector<128x256xbf16>
    %dot_general3A_60 = arith.constant dense<0.000000e+00> : vector<1280x256xf32>
    %dot_general3A_61 = tpu.matmul %convert_element_type3A_8, %get3A_59, %dot_general3A_60 {dimension_numbers = #tpu.dot_dimension_numbers<[1], [0], [0], [1], [0, 0, 1, 1], [], []>, transpose_lhs_hint = false} : vector<1280x128xbf16>, vector<128x256xbf16>, vector<1280x256xf32> -> vector<1280x256xf32>
    %add3A_62 = arith.addf %dot_general3A_56, %dot_general3A_61 : vector<1280x256xf32>
    %convert_element_type3A_63 = arith.truncf %get3A_45 : vector<1280x4xf32> to vector<1280x4xbf16>
    %get3A_64 = arith.constant 0 : index
    %get3A_65 = arith.constant 0 : index
    %get3A_66 = vector.load %arg10[%get3A_64, %get3A_65] : memref<4x256xbf16, #tpu.memory_space<vmem>>, vector<4x256xbf16>
    %dot_general3A_67 = arith.constant dense<0.000000e+00> : vector<1280x256xf32>
    %dot_general3A_68 = tpu.matmul %convert_element_type3A_63, %get3A_66, %dot_general3A_67 {dimension_numbers = #tpu.dot_dimension_numbers<[1], [0], [0], [1], [0, 0, 1, 1], [], []>, transpose_lhs_hint = false} : vector<1280x4xbf16>, vector<4x256xbf16>, vector<1280x256xf32> -> vector<1280x256xf32>
    %add3A_69 = arith.addf %add3A_62, %dot_general3A_68 : vector<1280x256xf32>
    %convert_element_type3A_70 = arith.truncf %mul3A_51 : vector<1280x80xf32> to vector<1280x80xbf16>
    %get3A_71 = arith.constant 0 : index
    %get3A_72 = arith.constant 0 : index
    %get3A_73 = vector.load %arg11[%get3A_71, %get3A_72] : memref<80x256xbf16, #tpu.memory_space<vmem>>, vector<80x256xbf16>
    %dot_general3A_74 = arith.constant dense<0.000000e+00> : vector<1280x256xf32>
    %dot_general3A_75 = tpu.matmul %convert_element_type3A_70, %get3A_73, %dot_general3A_74 {dimension_numbers = #tpu.dot_dimension_numbers<[1], [0], [0], [1], [0, 0, 1, 1], [], []>, transpose_lhs_hint = false} : vector<1280x80xbf16>, vector<80x256xbf16>, vector<1280x256xf32> -> vector<1280x256xf32>
    %add3A_76 = arith.addf %add3A_69, %dot_general3A_75 : vector<1280x256xf32>
    %get3A_77 = arith.constant 0 : index
    %get3A_78 = arith.constant 0 : index
    %get3A_79 = vector.load %arg13[%get3A_77, %get3A_78] : memref<1x256xf32, #tpu.memory_space<vmem>>, vector<1x256xf32>
    %add3A_80 = vector.broadcast %get3A_79 : vector<1x256xf32> to vector<1280x256xf32>
    %add3A_81 = arith.addf %add3A_76, %add3A_80 : vector<1280x256xf32>
    %slice3A = vector.extract_strided_slice %add3A_81 {offsets = [0, 0], sizes = [1280, 128], strides = [1, 1]} : vector<1280x256xf32> to vector<1280x128xf32>
    %slice3A_82 = vector.extract_strided_slice %add3A_81 {offsets = [0, 128], sizes = [1280, 128], strides = [1, 1]} : vector<1280x256xf32> to vector<1280x128xf32>
    %reduce_sum3A = arith.constant dense<0.000000e+00> : vector<1280xf32>
    %reduce_sum3A_83 = vector.multi_reduction <add>, %slice3A, %reduce_sum3A [1] : vector<1280x128xf32> to vector<1280xf32>
    %broadcast_in_dim3A_84 = vector.shape_cast %reduce_sum3A_83 : vector<1280xf32> to vector<1280x1xf32>
    %div3A = arith.constant 1.280000e+02 : f32
    %div3A_85 = vector.broadcast %div3A : f32 to vector<1280x1xf32>
    %div3A_86 = arith.divf %broadcast_in_dim3A_84, %div3A_85 : vector<1280x1xf32>
    %sub3A_87 = vector.broadcast %div3A_86 : vector<1280x1xf32> to vector<1280x128xf32>
    %sub3A_88 = arith.subf %slice3A, %sub3A_87 : vector<1280x128xf32>
    %integer_pow3A_89 = arith.mulf %sub3A_88, %sub3A_88 : vector<1280x128xf32>
    %reduce_sum3A_90 = arith.constant dense<0.000000e+00> : vector<1280xf32>
    %reduce_sum3A_91 = vector.multi_reduction <add>, %integer_pow3A_89, %reduce_sum3A_90 [1] : vector<1280x128xf32> to vector<1280xf32>
    %broadcast_in_dim3A_92 = vector.shape_cast %reduce_sum3A_91 : vector<1280xf32> to vector<1280x1xf32>
    %div3A_93 = arith.constant 1.280000e+02 : f32
    %div3A_94 = vector.broadcast %div3A_93 : f32 to vector<1280x1xf32>
    %div3A_95 = arith.divf %broadcast_in_dim3A_92, %div3A_94 : vector<1280x1xf32>
    %sub3A_96 = vector.broadcast %div3A_86 : vector<1280x1xf32> to vector<1280x128xf32>
    %sub3A_97 = arith.subf %slice3A, %sub3A_96 : vector<1280x128xf32>
    %add3A_98 = arith.constant 9.99999974E-6 : f32
    %add3A_99 = vector.broadcast %add3A_98 : f32 to vector<1280x1xf32>
    %add3A_100 = arith.addf %div3A_95, %add3A_99 : vector<1280x1xf32>
    %rsqrt3A = math.rsqrt %add3A_100 : vector<1280x1xf32>
    %mul3A_101 = vector.broadcast %rsqrt3A : vector<1280x1xf32> to vector<1280x128xf32>
    %mul3A_102 = arith.mulf %sub3A_97, %mul3A_101 : vector<1280x128xf32>
    %reduce_sum3A_103 = arith.constant dense<0.000000e+00> : vector<1280xf32>
    %reduce_sum3A_104 = vector.multi_reduction <add>, %slice3A_82, %reduce_sum3A_103 [1] : vector<1280x128xf32> to vector<1280xf32>
    %broadcast_in_dim3A_105 = vector.shape_cast %reduce_sum3A_104 : vector<1280xf32> to vector<1280x1xf32>
    %div3A_106 = arith.constant 1.280000e+02 : f32
    %div3A_107 = vector.broadcast %div3A_106 : f32 to vector<1280x1xf32>
    %div3A_108 = arith.divf %broadcast_in_dim3A_105, %div3A_107 : vector<1280x1xf32>
    %sub3A_109 = vector.broadcast %div3A_108 : vector<1280x1xf32> to vector<1280x128xf32>
    %sub3A_110 = arith.subf %slice3A_82, %sub3A_109 : vector<1280x128xf32>
    %integer_pow3A_111 = arith.mulf %sub3A_110, %sub3A_110 : vector<1280x128xf32>
    %reduce_sum3A_112 = arith.constant dense<0.000000e+00> : vector<1280xf32>
    %reduce_sum3A_113 = vector.multi_reduction <add>, %integer_pow3A_111, %reduce_sum3A_112 [1] : vector<1280x128xf32> to vector<1280xf32>
    %broadcast_in_dim3A_114 = vector.shape_cast %reduce_sum3A_113 : vector<1280xf32> to vector<1280x1xf32>
    %div3A_115 = arith.constant 1.280000e+02 : f32
    %div3A_116 = vector.broadcast %div3A_115 : f32 to vector<1280x1xf32>
    %div3A_117 = arith.divf %broadcast_in_dim3A_114, %div3A_116 : vector<1280x1xf32>
    %sub3A_118 = vector.broadcast %div3A_108 : vector<1280x1xf32> to vector<1280x128xf32>
    %sub3A_119 = arith.subf %slice3A_82, %sub3A_118 : vector<1280x128xf32>
    %add3A_120 = arith.constant 9.99999974E-6 : f32
    %add3A_121 = vector.broadcast %add3A_120 : f32 to vector<1280x1xf32>
    %add3A_122 = arith.addf %div3A_117, %add3A_121 : vector<1280x1xf32>
    %rsqrt3A_123 = math.rsqrt %add3A_122 : vector<1280x1xf32>
    %mul3A_124 = vector.broadcast %rsqrt3A_123 : vector<1280x1xf32> to vector<1280x128xf32>
    %mul3A_125 = arith.mulf %sub3A_119, %mul3A_124 : vector<1280x128xf32>
    %concatenate3A = tpu.concatenate %mul3A_102, %mul3A_125 in 1 : vector<1280x128xf32>, vector<1280x128xf32> -> vector<1280x256xf32>
    %get3A_126 = arith.constant 0 : index
    %get3A_127 = arith.constant 0 : index
    %get3A_128 = vector.load %arg14[%get3A_126, %get3A_127] : memref<1x256xf32, #tpu.memory_space<vmem>>, vector<1x256xf32>
    %mul3A_129 = vector.broadcast %get3A_128 : vector<1x256xf32> to vector<1280x256xf32>
    %mul3A_130 = arith.mulf %concatenate3A, %mul3A_129 : vector<1280x256xf32>
    %get3A_131 = arith.constant 0 : index
    %get3A_132 = arith.constant 0 : index
    %get3A_133 = vector.load %arg15[%get3A_131, %get3A_132] : memref<1x256xf32, #tpu.memory_space<vmem>>, vector<1x256xf32>
    %add3A_134 = vector.broadcast %get3A_133 : vector<1x256xf32> to vector<1280x256xf32>
    %add3A_135 = arith.addf %mul3A_130, %add3A_134 : vector<1280x256xf32>
    %max3A = arith.constant 0.000000e+00 : f32
    %max3A_136 = vector.broadcast %max3A : f32 to vector<1280x256xf32>
    %max3A_137 = arith.maximumf %add3A_135, %max3A_136 : vector<1280x256xf32>
    %convert_element_type3A_138 = arith.truncf %max3A_137 : vector<1280x256xf32> to vector<1280x256xbf16>
    %get3A_139 = arith.constant 0 : index
    %get3A_140 = arith.constant 0 : index
    %get3A_141 = vector.load %arg16[%get3A_139, %get3A_140] : memref<256x256xbf16, #tpu.memory_space<vmem>>, vector<256x256xbf16>
    %dot_general3A_142 = arith.constant dense<0.000000e+00> : vector<1280x256xf32>
    %dot_general3A_143 = tpu.matmul %convert_element_type3A_138, %get3A_141, %dot_general3A_142 {dimension_numbers = #tpu.dot_dimension_numbers<[1], [0], [0], [1], [0, 0, 1, 1], [], []>, transpose_lhs_hint = false} : vector<1280x256xbf16>, vector<256x256xbf16>, vector<1280x256xf32> -> vector<1280x256xf32>
    %get3A_144 = arith.constant 0 : index
    %get3A_145 = arith.constant 0 : index
    %get3A_146 = vector.load %arg17[%get3A_144, %get3A_145] : memref<1x256xf32, #tpu.memory_space<vmem>>, vector<1x256xf32>
    %add3A_147 = vector.broadcast %get3A_146 : vector<1x256xf32> to vector<1280x256xf32>
    %add3A_148 = arith.addf %dot_general3A_143, %add3A_147 : vector<1280x256xf32>
    %slice3A_149 = vector.extract_strided_slice %add3A_148 {offsets = [0, 0], sizes = [1280, 128], strides = [1, 1]} : vector<1280x256xf32> to vector<1280x128xf32>
    %slice3A_150 = vector.extract_strided_slice %add3A_148 {offsets = [0, 128], sizes = [1280, 128], strides = [1, 1]} : vector<1280x256xf32> to vector<1280x128xf32>
    %get3A_151 = arith.constant 0 : index
    %get3A_152 = arith.constant 0 : index
    %get3A_153 = vector.load %arg7[%get3A_151, %get3A_152] : memref<1280x1xf32, #tpu.memory_space<vmem>>, vector<1280x1xf32>
    %mul3A_154 = vector.broadcast %get3A_153 : vector<1280x1xf32> to vector<1280x128xf32>
    %mul3A_155 = arith.mulf %slice3A_150, %mul3A_154 : vector<1280x128xf32>
    %mul3A_156 = arith.mulf %get3A_4, %slice3A_149 : vector<1280x128xf32>
    %convert_element_type3A_157 = arith.truncf %mul3A_156 : vector<1280x128xf32> to vector<1280x128xbf16>
    %get3A_158 = arith.constant 0 : index
    %get3A_159 = arith.constant 0 : index
    %get3A_160 = vector.load %arg18[%get3A_158, %get3A_159] : memref<128x128xbf16, #tpu.memory_space<vmem>>, vector<128x128xbf16>
    %dot_general3A_161 = arith.constant dense<0.000000e+00> : vector<1280x128xf32>
    %dot_general3A_162 = tpu.matmul %convert_element_type3A_157, %get3A_160, %dot_general3A_161 {dimension_numbers = #tpu.dot_dimension_numbers<[1], [0], [0], [1], [0, 0, 1, 1], [], []>, transpose_lhs_hint = false} : vector<1280x128xbf16>, vector<128x128xbf16>, vector<1280x128xf32> -> vector<1280x128xf32>
    %mul3A_163 = arith.constant 0.353553385 : f32
    %mul3A_164 = vector.broadcast %mul3A_163 : f32 to vector<1280x128xf32>
    %mul3A_165 = arith.mulf %dot_general3A_162, %mul3A_164 : vector<1280x128xf32>
    %exp3A_166 = math.exp %mul3A_165 : vector<1280x128xf32>
    %mul3A_167 = arith.mulf %exp3A_166, %mul3A_155 : vector<1280x128xf32>
    %swap3A = arith.constant 0 : index
    %swap3A_168 = arith.constant 0 : index
    %swap3A_169 = vector.load %arg19[%swap3A, %swap3A_168] : memref<1280x128xf32, #tpu.memory_space<vmem>>, vector<1280x128xf32>
    tpu.vector_store %arg19[%swap3A, %swap3A_168], %mul3A_167 {strides = array<i32>} : memref<1280x128xf32, #tpu.memory_space<vmem>>, vector<1280x128xf32>,
    %swap3A_170 = arith.constant 0 : index
    %swap3A_171 = arith.constant 0 : index
    %swap3A_172 = vector.load %arg20[%swap3A_170, %swap3A_171] : memref<1280x128xf32, #tpu.memory_space<vmem>>, vector<1280x128xf32>
    tpu.vector_store %arg20[%swap3A_170, %swap3A_171], %exp3A_166 {strides = array<i32>} : memref<1280x128xf32, #tpu.memory_space<vmem>>, vector<1280x128xf32>,
    return
  }
  func.func @transform_0(%arg0: i32) -> (i32, i32) {
    %c0_i32 = arith.constant 0 : i32
    %c0_i32_0 = arith.constant 0 : i32
    return %arg0, %c0_i32 : i32, i32
  }
  func.func @transform_1(%arg0: i32) -> (i32, i32) {
    %c0_i32 = arith.constant 0 : i32
    %c0_i32_0 = arith.constant 0 : i32
    return %arg0, %c0_i32 : i32, i32
  }
  func.func @transform_2(%arg0: i32) -> (i32, i32) {
    %c0_i32 = arith.constant 0 : i32
    %c0_i32_0 = arith.constant 0 : i32
    return %arg0, %c0_i32 : i32, i32
  }
  func.func @transform_3(%arg0: i32) -> (i32, i32) {
    %c0_i32 = arith.constant 0 : i32
    %c0_i32_0 = arith.constant 0 : i32
    return %arg0, %c0_i32 : i32, i32
  }
  func.func @transform_4(%arg0: i32) -> (i32, i32) {
    %c0_i32 = arith.constant 0 : i32
    %c0_i32_0 = arith.constant 0 : i32
    return %arg0, %c0_i32 : i32, i32
  }
  func.func @transform_5(%arg0: i32) -> (i32, i32) {
    %c0_i32 = arith.constant 0 : i32
    %c0_i32_0 = arith.constant 0 : i32
    return %arg0, %c0_i32 : i32, i32
  }
  func.func @transform_6(%arg0: i32) -> (i32, i32) {
    %c0_i32 = arith.constant 0 : i32
    %c0_i32_0 = arith.constant 0 : i32
    return %arg0, %c0_i32 : i32, i32
  }
  func.func @transform_7(%arg0: i32) -> (i32, i32) {
    %c0_i32 = arith.constant 0 : i32
    %c0_i32_0 = arith.constant 0 : i32
    %c0_i32_1 = arith.constant 0 : i32
    return %c0_i32, %c0_i32_0 : i32, i32
  }
  func.func @transform_8(%arg0: i32) -> (i32, i32) {
    %c0_i32 = arith.constant 0 : i32
    %c0_i32_0 = arith.constant 0 : i32
    %c0_i32_1 = arith.constant 0 : i32
    return %c0_i32, %c0_i32_0 : i32, i32
  }
  func.func @transform_9(%arg0: i32) -> (i32, i32) {
    %c0_i32 = arith.constant 0 : i32
    %c0_i32_0 = arith.constant 0 : i32
    %c0_i32_1 = arith.constant 0 : i32
    return %c0_i32, %c0_i32_0 : i32, i32
  }
  func.func @transform_10(%arg0: i32) -> (i32, i32) {
    %c0_i32 = arith.constant 0 : i32
    %c0_i32_0 = arith.constant 0 : i32
    %c0_i32_1 = arith.constant 0 : i32
    return %c0_i32, %c0_i32_0 : i32, i32
  }
  func.func @transform_11(%arg0: i32) -> (i32, i32) {
    %c0_i32 = arith.constant 0 : i32
    %c0_i32_0 = arith.constant 0 : i32
    %c0_i32_1 = arith.constant 0 : i32
    return %c0_i32, %c0_i32_0 : i32, i32
  }
  func.func @transform_12(%arg0: i32) -> (i32, i32) {
    %c0_i32 = arith.constant 0 : i32
    %c0_i32_0 = arith.constant 0 : i32
    %c0_i32_1 = arith.constant 0 : i32
    return %c0_i32, %c0_i32_0 : i32, i32
  }
  func.func @transform_13(%arg0: i32) -> (i32, i32) {
    %c0_i32 = arith.constant 0 : i32
    %c0_i32_0 = arith.constant 0 : i32
    %c0_i32_1 = arith.constant 0 : i32
    return %c0_i32, %c0_i32_0 : i32, i32
  }
  func.func @transform_14(%arg0: i32) -> (i32, i32) {
    %c0_i32 = arith.constant 0 : i32
    %c0_i32_0 = arith.constant 0 : i32
    %c0_i32_1 = arith.constant 0 : i32
    return %c0_i32, %c0_i32_0 : i32, i32
  }
  func.func @transform_15(%arg0: i32) -> (i32, i32) {
    %c0_i32 = arith.constant 0 : i32
    %c0_i32_0 = arith.constant 0 : i32
    %c0_i32_1 = arith.constant 0 : i32
    return %c0_i32, %c0_i32_0 : i32, i32
  }
  func.func @transform_16(%arg0: i32) -> (i32, i32) {
    %c0_i32 = arith.constant 0 : i32
    %c0_i32_0 = arith.constant 0 : i32
    %c0_i32_1 = arith.constant 0 : i32
    return %c0_i32, %c0_i32_0 : i32, i32
  }
  func.func @transform_17(%arg0: i32) -> (i32, i32) {
    %c0_i32 = arith.constant 0 : i32
    %c0_i32_0 = arith.constant 0 : i32
    %c0_i32_1 = arith.constant 0 : i32
    return %c0_i32, %c0_i32_0 : i32, i32
  }
  func.func @transform_18(%arg0: i32) -> (i32, i32) {
    %c0_i32 = arith.constant 0 : i32
    %c0_i32_0 = arith.constant 0 : i32
    return %arg0, %c0_i32 : i32, i32
  }
  func.func @transform_19(%arg0: i32) -> (i32, i32) {
    %c0_i32 = arith.constant 0 : i32
    %c0_i32_0 = arith.constant 0 : i32
    return %arg0, %c0_i32 : i32, i32
  }
}

</mosaic_0001>

<sc_bundles>
// kernel: kernel.6.cloned.1.call-start
scs
__scs_entry_jumppad:
0x0: {  	(pc) =	sbr.rel $0x88, $3  }
0x1: {  	(tag) =	ssettag $0x0;
	lr =	simm.s32 $0x1  }
0x2: {  	[smem:$0x3F8A] =	sst lr;
	_ =	strace $0xD0000000  }
0x3: {  	_ = 	snop  }
0x4: {  	_ = 	snop  }
0x5: {  	_ = 	snop  }
0x6: {  	_ = 	snop  }
0x7: {  	_ = 	snop  }
__scs_overlays_trampoline_lowered:
0x8: {  	[smem:$0x3F99] =	sst s0  }
0x9: {  	[smem:$0x3F9A] =	sst s1  }
0xa: {  	[smem:$0x3F9B] =	sst s2  }
0xb: {  	[smem:$0x3F9C] =	sst s3  }
0xc: {  	[smem:$0x3F9D] =	sst s4  }
0xd: {  	[smem:$0x3F9E] =	sst s5  }
0xe: {  	[smem:$0x3F9F] =	sst s6  }
0xf: {  	[smem:$0x3FA0] =	sst s7  }
0x10: {  	[smem:$0x3FA1] =	sst s8  }
0x11: {  	[smem:$0x3FA2] =	sst s9;
	s0 =	simm.s32 @!p0 $0x0  }
0x12: {  	s1 =	sld [smem:$0x3F88];
	s0 =	simm.s32 @p0 $0x1  }
0x13: {  	[smem:$0x3FA3] =	sst s0;
	s0 =	simm.s32 @!p1 $0x0  }
0x14: {  	s2 =	sld [smem:$0x3F87];
	s0 =	simm.s32 @p1 $0x1  }
0x15: {  	[smem:$0x3FA4] =	sst s0;
	s0 =	simm.s32 @!p2 $0x0  }
0x16: {  	s3 =	sld [smem:$0x3FDB];
	s0 =	simm.s32 @p2 $0x1  }
0x17: {  	s4 =	simm.s32 $0x1BF5;
	[smem:$0x3FA6] =	sst s0  }
0x18: {  	s0 =	sld [smem:$0x3F89];
	_ =	swait.ge [sflag:s4], $0x0  }
0x19: {  	s7 =	sld [smem:$0x3F8A]  }
0x1a: {  	s8 =	sadd.s32 $0xFFFFE003, lr  }
0x1b: {  	s9 =	sadd.s32 $0xFFFFFEF7, lr;
	s5 =	simm.s32 $0xFFFFFFFF;
	p2 =	slt.u32 s8, $0xFFFFF086  }
0x1c: {  	p1 =	slt.u32 s9, $0xF7A;
	s5 =	simm.s32 @!p2 $0x0  }
0x1d: {  	s5 =	simm.s32 @p1 $0x1;
	p0 =	seq.s32 s7, s2  }
0x1e: {  	s7 =	smul.u32 @!p0 $0xF7A, s2;
	p2 =	seq.s32 @!p0 s5, $0x0  }
0x1f: {  	s9 =	smul.u32 $0xF7A, s1;
	s8 =	simm.s32 @!p0 $0x1BF5;
	p2 =	por !p2, p0  }
0x20: {  	[sflag:s8] =	ssyncset.s32 @!p0 $0xFFFFF086;
	s6 =	sadd.s32 @!p0 s3, s7;
	s7 =	simm.s32 @!p0 $0x108  }
0x21: {  	s3 =	sadd.s32 s3, s9;
	s6 =	sadd.s32 @!p0 $0x88, s6;
	s7 =	simm.s32 @p2 $0x1082  }
0x22: {  	[simem:s7], [sflag:s8] =	dma.local @!p0 [hbm:s6], $0xF7A  }
0x23: {  	s9 =	sor.u32 $0xD0000000, s2;
	s6 =	simm.s32 $0x108;
	_ =	swait.ge @!p0 [sflag:s8], $0x0  }
0x24: {  	s3 =	sadd.s32 $0x88, s3;
	s6 =	simm.s32 @!p1 $0x1082;
	[sflag:s4] =	ssyncset.s32 $0xFFFFF086  }
0x25: {  	[simem:s6], [sflag:s4] =	dma.local [hbm:s3], $0xF7A  }
0x26: {  	[smem:$0x3F8A] =	sst s1;
	(tag) =	ssettag s2;
	_ =	strace s9  }
0x27: {  	s1 =	sld [smem:$0x3F9A]  }
0x28: {  	s2 =	sld [smem:$0x3F9B]  }
0x29: {  	s4 =	sld [smem:$0x3F9D]  }
0x2a: {  	p0 =	seq.s32 s5, $0x0;
	s5 =	sld [smem:$0x3F9E]  }
0x2b: {  	s6 =	sld [smem:$0x3F9F]  }
0x2c: {  	s7 =	sld [smem:$0x3FA0]  }
0x2d: {  	s3 =	simm.s32 $0x108;
	s8 =	sld [smem:$0x3FA1]  }
0x2e: {  	s3 =	simm.s32 @!p0 $0x1082;
	s9 =	sld [smem:$0x3FA2]  }
0x2f: {  	lr =	sadd.s32 s0, s3;
	s0 =	sld [smem:$0x3F99]  }
0x30: {  	s3 =	sld [smem:$0x3F9C]  }
0x31: {  	[smem:$0x3FA5] =	sst s10  }
0x32: {  	s10 =	sld [smem:$0x3FA3];
	_ =	sdelay $0x3  }
0x33: {  	p0 =	seq.s32 s10, $0x1;
	s10 =	sld [smem:$0x3FA5];
	_ =	sdelay $0x3  }
0x34: {  	[smem:$0x3FA5] =	sst s10  }
0x35: {  	s10 =	sld [smem:$0x3FA4];
	_ =	sdelay $0x3  }
0x36: {  	p1 =	seq.s32 s10, $0x1;
	s10 =	sld [smem:$0x3FA5];
	_ =	sdelay $0x3  }
0x37: {  	[smem:$0x3FA5] =	sst s10  }
0x38: {  	s10 =	sld [smem:$0x3FA6]  }
0x39: {  	_ = 	snop;
	(pc) =	sbr.ind lr, $3  }
0x3a: {  	_ = 	snop  }
0x3b: {  	_ = 	snop  }
0x3c: {  	p2 =	seq.s32 s10, $0x1;
	s10 =	sld [smem:$0x3FA5]  }
0x3d: {  	_ =	shalt  }
0x3e: {  	_ =	shalt  }
0x3f: {  	_ =	shalt  }
0x40: {  	_ =	shalt  }
0x41: {  	_ =	shalt  }
0x42: {  	_ =	shalt  }
0x43: {  	_ =	shalt  }
0x44: {  	_ =	shalt  }
0x45: {  	_ =	shalt  }
0x46: {  	_ =	shalt  }
0x47: {  	_ =	shalt  }
0x48: {  	_ =	shalt  }
0x49: {  	_ =	shalt  }
0x4a: {  	_ =	shalt  }
0x4b: {  	_ =	shalt  }
0x4c: {  	_ =	shalt  }
0x4d: {  	_ =	shalt  }
0x4e: {  	_ =	shalt  }
0x4f: {  	_ =	shalt  }
0x50: {  	_ =	shalt  }
0x51: {  	_ =	shalt  }
0x52: {  	_ =	shalt  }
0x53: {  	_ =	shalt  }
0x54: {  	_ =	shalt  }
0x55: {  	_ =	shalt  }
0x56: {  	_ =	shalt  }
0x57: {  	_ =	shalt  }
0x58: {  	_ =	shalt  }
0x59: {  	_ =	shalt  }
0x5a: {  	_ =	shalt  }
0x5b: {  	_ =	shalt  }
0x5c: {  	_ =	shalt  }
0x5d: {  	_ =	shalt  }
0x5e: {  	_ =	shalt  }
0x5f: {  	_ =	shalt  }
0x60: {  	_ =	shalt  }
0x61: {  	_ =	shalt  }
0x62: {  	_ =	shalt  }
0x63: {  	_ =	shalt  }
0x64: {  	_ =	shalt  }
0x65: {  	_ =	shalt  }
0x66: {  	_ =	shalt  }
0x67: {  	_ =	shalt  }
0x68: {  	_ =	shalt  }
0x69: {  	_ =	shalt  }
0x6a: {  	_ =	shalt  }
0x6b: {  	_ =	shalt  }
0x6c: {  	_ =	shalt  }
0x6d: {  	_ =	shalt  }
0x6e: {  	_ =	shalt  }
0x6f: {  	_ =	shalt  }
0x70: {  	_ =	shalt  }
0x71: {  	_ =	shalt  }
0x72: {  	_ =	shalt  }
0x73: {  	_ =	shalt  }
0x74: {  	_ =	shalt  }
0x75: {  	_ =	shalt  }
0x76: {  	_ =	shalt  }
0x77: {  	_ =	shalt  }
0x78: {  	_ =	shalt  }
0x79: {  	_ =	shalt  }
0x7a: {  	_ =	shalt  }
0x7b: {  	_ =	shalt  }
0x7c: {  	_ =	shalt  }
0x7d: {  	_ =	shalt  }
0x7e: {  	_ =	shalt  }
0x7f: {  	_ =	shalt  }
0x80: {  	_ =	shalt  }
0x81: {  	_ =	shalt  }
0x82: {  	_ =	shalt  }
0x83: {  	_ =	shalt  }
0x84: {  	_ =	shalt  }
0x85: {  	_ =	shalt  }
0x86: {  	_ =	shalt  }
0x87: {  	_ =	shalt  }
.Lfunc_end0:
.L_simem_size_0:
called_computation_lowered:
.L_overlay_start_0:
0x88: {  	s2 =	sld [smem:$0x3FD9]  }
0x89: {  	s3 =	sld [smem:$0x3FFE];
	_ =	sdelay $0x1  }
0x8a: {  	s1 =	srdreg.scid  }
0x8b: {  	s0 =	sand.u32 $0x1, s1  }
0x8c: {  	s17 =	sshll.u32 s0, $0xA;
	s2 =	sadd.s32 s3, s2  }
0x8d: {  	s2 =	sadd.s32 s2, s17  }
0x8e: {  	[smem:$0x3FB1] =	sst s2  }
0x8f: {  	_ = 	snop  }
0x90: {  	s2 =	sld [smem:$0x3FC8]  }
0x91: {  	s18 =	sld [smem:$0x3FD0];
	(tm) =	ssettm $0x1  }
0x92: {  	s4 =	sld [smem:$0x3FFB];
	_ =	sdelay $0x3  }
0x93: {  	_ =	strace s4  }
0x94: {  	s4 =	sld [smem:$0x3FFC];
	_ =	sdelay $0x3  }
0x95: {  	_ =	strace s4  }
0x96: {  	s4 =	sld [smem:$0x3FFD];
	_ =	sdelay $0x3  }
0x97: {  	_ =	strace s4  }
0x98: {  	_ =	strace $0x8FFFFFFF  }
0x99: {  	s19 =	sld [smem:$0x3FDB];
	_ =	sdelay $0x1  }
0x9a: {  	s5 =	simm.s32 $_scs_section_size  }
0x9b: {  	s6 =	simm.s32 $_size__tile_overlayer_lowered;
	s7 =	simm.s32 $_tile_overlayer_lowered  }
0x9c: {  	s22 =	simm.s32 $0x1BFF;
	s21 =	sshll.u32 s7, $0x1;
	s4 =	sadd.s32 s5, s19  }
0x9d: {  	s8 =	simm.s32 $0x0;
	s20 =	sshll.u32 s6, $0x1;
	s6 =	sadd.s32 s21, s4  }
0x9e: {  	[timem:s8], [sflag:s22] =	dma.local [hbm:s6], s20  }
0x9f: {  	_ =	swait.ge [sflag:s22], s20  }
0xa0: {  	s5 =	ssub.s32 $0x0, s20;
	[sflag:s22] =	ssyncset.done $0x0  }
0xa1: {  	[sflag:s22] =	ssyncadd.s32 s5;
	_ =	sdelay $0x1  }
0xa2: {  	s23 =	simm.s32 $0x1B8B  }
0xa3: {  	_ =	swait.ge [sflag:s23], $0x1  }
0xa4: {  	[sflag:s23] =	ssyncset.done $0x0  }
0xa5: {  	s25 =	simm.s32 $0x1B8E;
	s24 =	sld [smem:$0x3FFE];
	[sflag:s23] =	ssyncadd.s32 $0xFFFFFFFF  }
0xa6: {  	s26 =	simm.s32 $execute0_lowered;
	[smem:$0x3FD2] =	sst s25  }
0xa7: {  	s6 =	sshll.u32 s26, $0x1;
	_ =	strace $0x80000046;
	[dreg:$0x1] =	wrdreg $0xFFFFFFFF  }
0xa8: {  	s28 =	simm.s32 $_size_execute0_lowered;
	s4 =	sadd.s32 s4, s6;
	[dreg:$0x0] =	wrdreg $0x0  }
0xa9: {  	s6 =	sshll.u32 s28, $0x1;
	[dreg:$0x2] =	wrdreg s4  }
0xaa: {  	[dreg:$0x3] =	wrdreg s6  }
0xab: {  	[dreg:$0x4] =	wrdreg $0xC0  }
0xac: {  	_ =	task [dreg:s8], $0x5FFFF  }
0xad: {  	[dreg:$0x1] =	wrdreg $0xFFFFFFFF  }
0xae: {  	[dreg:$0x0] =	wrdreg $0x60  }
0xaf: {  	[dreg:$0x2] =	wrdreg s2  }
0xb0: {  	[dreg:$0x3] =	wrdreg s18  }
0xb1: {  	[dreg:$0x4] =	wrdreg s24  }
0xb2: {  	[dreg:$0x5] =	wrdreg $0x9  }
0xb3: {  	_ =	task.clear_ibuf [dreg:s8], $0x6FFFF;
	_ =	strace $0x90000046  }
0xb4: {  	s29 =	simm.s32 $0x9;
	_ =	strace $0x80000048  }
0xb5: {  	_ =	swait.ge [sflag:s29], $0x1  }
0xb6: {  	[sflag:s29] =	ssyncadd.s32 $0xFFFFFFFF  }
0xb7: {  	_ =	strace $0x90000048  }
0xb8: {  	_ =	sfence  }
0xb9: {  	s30 =	sld [smem:$0x0];
	_ =	sdelay $0x2  }
0xba: {  	s31 =	sshll.u32 s1, $0xD;
	s1 =	sshrl.u32 s1, $0x2  }
0xbb: {  	s3 =	sand.u32 $0x4000, s31;
	s1 =	sadd.s32 s1, s30  }
0xbc: {  	s0 =	sor.u32 s3, s0;
	s1 =	sshll.u32 s1, $0x11  }
0xbd: {  	s0 =	sor.u32 s1, s0  }
0xbe: {  	s0 =	sadd.s32 $0x8F2B, s0  }
0xbf: {  	[sflag:s0] =	ssyncadd.remote.s32 $0x1  }
0xc0: {  	_ =	sfence.sel $0xFFFF  }
0xc1: {  	[dreg:$0x0] =	wrdreg $0xFFFFFFFF;
	(pc) =	sbr.abs _section_cstart, $3  }
0xc2: {  	[dreg:$0x1] =	wrdreg $0xFFFFFFFF  }
0xc3: {  	_ =	task.clear_ibuf [dreg:s8], $0x2FFFF;
	_ =	strace $0x9FFFFFFF  }
0xc4: {  	(tm) =	ssettm $0x7FFFFFFF  }
0xc5: {  	_ =	shalt  }
tec
execute0_lowered:
.L_overlay_start_1:
0x0: {  	(tag) =	ssettag $0x1  }
0x1: {  	s1 =	rddreg [dreg:$0x0]  }
0x2: {  	s0 =	srdreg.scid;
	s3 =	rddreg [dreg:$0x1]  }
0x3: {  	s7 =	stileid.u32;
	s6 =	rddreg [dreg:$0x2];
	s4 =	simm.s32 $0x0  }
0x4: {  	s9 =	simm.s32 $0x3;
	s10 =	simm.s32 $0x2780;
	s11 =	simm.s32 $0x28  }
0x5: {  	s12 =	simm.s32 $0x4F00;
	s13 =	simm.s32 $0x6300;
	s14 =	simm.s32 $0x7700  }
0x6: {  	s15 =	simm.s32 $0x8B00;
	s16 =	simm.s32 $0x9F00;
	s17 =	simm.s32 $0xB300  }
0x7: {  	s18 =	simm.s32 $0xC700;
	s19 =	simm.s32 $0xDB00;
	s0 =	sand.u32 $0x1, s0  }
0x8: {  	s2 =	sshll.u32 s0, $0x4;
	s5 =	smul.u32 $0x271000, s0;
	s0 =	ssub.s32 $0x2, s0  }
0x9: {  	s2 =	sor.u32 s7, s2;
	s7 =	smul.u32 $0x27100, s7;
	s25 =	sshrl.u32 s0, $0x1  }
0xa: {  	s20 =	simm.s32 $0xEF00;
	s8 =	sadd.s32 s5, s6;
	s0 =	ssub.s32 s0, s25  }
0xb: {  	[smem:$0x7FF] =	sst s4;
	s7 =	sadd.s32 s7, s8;
	s0 =	smax.u32 s0, $0x1  }
0xc: {  	_ =	strace $0x80000047;
	s24 =	sadd.s32 $0x3FA00, s7;
	[dreg:$0xb] =	wrdreg s0  }
0xd: {  	s2 =	smul.u32 $0x2710, s2;
	s26 =	sadd.s32 $0x521A00, s7;
	[dreg:$0x4] =	wrdreg s24  }
0xe: {  	s21 =	simm.s32 $0x10300;
	s28 =	sadd.s32 $0xA03A00, s7;
	[dreg:$0x5] =	wrdreg s26  }
0xf: {  	s2 =	sshrl.u32 s2, $0x3;
	s30 =	sadd.s32 $0xEE5A00, s7;
	[dreg:$0x6] =	wrdreg s28  }
0x10: {  	s31 =	sadd.s32 $0x13C7A00, s7;
	s2 =	sadd.s32 s2, s6;
	[dreg:$0x7] =	wrdreg s30  }
0x11: {  	s22 =	simm.s32 $0x1;
	[dreg:$0x8] =	wrdreg s31;
	s29 =	sadd.s32 $0xEA00, s2  }
0x12: {  	s23 =	simm.s32 $0x2;
	s2 =	sadd.s32 $0x4C00, s2;
	[dreg:$0x9] =	wrdreg s29  }
0x13: {  	s5 =	sadd.s32 $0x18800, s6;
	s24 =	simm.s32 $0x0;
	[dreg:$0xa] =	wrdreg s2  }
.LBB2_1:
0x14: {  	s0 =	rddreg [dreg:$0x9]  }
0x15: {  	[tilespmem:s4], [sflag:$0x3] =	stream.linear.gather [hbm4b:s0+s4], $0x2710, $0x38;
	[tilespmem:$0x11700] =	vst v63  }
0x16: {  	_ =	swait.ge [sflag:s9], $0x2710  }
0x17: {  	[sflag:s9] =	ssyncset.done $0x0  }
0x18: {  	s31 =	rddreg [dreg:$0xa];
	[sflag:s9] =	ssyncadd.s32 $0xFFFFD8F0  }
0x19: {  	[tilespmem:s10], [sflag:$0x3] =	stream.linear.gather [hbm4b:s31+s4], $0x2710, $0x38;
	[tilespmem:$0x11700] =	vst v63  }
0x1a: {  	_ =	swait.ge [sflag:s9], $0x2710  }
0x1b: {  	[sflag:s9] =	ssyncset.done $0x0  }
0x1c: {  	[sflag:s9] =	ssyncadd.s32 $0xFFFFD8F0  }
0x1d: {  	[tilespmem:s12], [sflag:$0x1] =	stream.indirect.gather [hbm4b:s1+s11], $0x80, s4, s11, $0xb8;
	[tilespmem:$0x11700] =	vst v63  }
0x1e: {  	_ = 	snop  }
0x1f: {  	[tilespmem:s13], [sflag:$0x1] =	stream.indirect.gather [hbm4b:s3+s11], $0x80, s4, s11, $0xb8;
	[tilespmem:$0x11700] =	vst v63  }
0x20: {  	_ = 	snop  }
0x21: {  	[tilespmem:s14], [sflag:$0x1] =	stream.indirect.gather [hbm4b:s5+s11], $0x80, s4, s11, $0xb8;
	[tilespmem:$0x11700] =	vst v63  }
0x22: {  	_ = 	snop  }
0x23: {  	[tilespmem:s15], [sflag:$0x1] =	stream.indirect.gather [hbm4b:s1+s11], $0x80, s10, s11, $0xb8;
	[tilespmem:$0x11700] =	vst v63  }
0x24: {  	_ = 	snop  }
0x25: {  	[tilespmem:s16], [sflag:$0x1] =	stream.indirect.gather [hbm4b:s5+s11], $0x80, s10, s11, $0xb8;
	[tilespmem:$0x11700] =	vst v63  }
0x26: {  	s2 =	simm.s32 $0x28  }
0x27: {  	[tilespmem:s17], [sflag:$0x2] =	stream.indirect.gather [hbm4b:s1+s11], $0x80, s2, s11, $0xb8;
	[tilespmem:$0x11700] =	vst v63  }
0x28: {  	_ = 	snop  }
0x29: {  	[tilespmem:s18], [sflag:$0x2] =	stream.indirect.gather [hbm4b:s3+s11], $0x80, s2, s11, $0xb8;
	[tilespmem:$0x11700] =	vst v63  }
0x2a: {  	_ = 	snop  }
0x2b: {  	[tilespmem:s19], [sflag:$0x2] =	stream.indirect.gather [hbm4b:s5+s11], $0x80, s2, s11, $0xb8;
	[tilespmem:$0x11700] =	vst v63  }
0x2c: {  	s6 =	simm.s32 $0x27A8  }
0x2d: {  	[tilespmem:s20], [sflag:$0x2] =	stream.indirect.gather [hbm4b:s1+s11], $0x80, s6, s11, $0xb8;
	[tilespmem:$0x11700] =	vst v63  }
0x2e: {  	_ = 	snop  }
0x2f: {  	[tilespmem:s21], [sflag:$0x2] =	stream.indirect.gather [hbm4b:s5+s11], $0x80, s6, s11, $0xb8;
	[tilespmem:$0x11700] =	vst v63  }
0x30: {  	_ =	swait.ge [sflag:s22], $0x1400  }
0x31: {  	[sflag:s22] =	ssyncset.done $0x0  }
0x32: {  	[sflag:s22] =	ssyncadd.s32 $0xFFFFEC00  }
0x33: {  	_ =	swait.ge [sflag:s22], $0x1400  }
0x34: {  	[sflag:s22] =	ssyncset.done $0x0  }
0x35: {  	[sflag:s22] =	ssyncadd.s32 $0xFFFFEC00  }
0x36: {  	_ =	swait.ge [sflag:s22], $0x1400  }
0x37: {  	[sflag:s22] =	ssyncset.done $0x0  }
0x38: {  	[sflag:s22] =	ssyncadd.s32 $0xFFFFEC00  }
0x39: {  	_ =	swait.ge [sflag:s22], $0x1400  }
0x3a: {  	[sflag:s22] =	ssyncset.done $0x0  }
0x3b: {  	[sflag:s22] =	ssyncadd.s32 $0xFFFFEC00  }
0x3c: {  	_ =	swait.ge [sflag:s22], $0x1400  }
0x3d: {  	s7 =	rddreg [dreg:$0x4];
	[sflag:s22] =	ssyncset.done $0x0  }
0x3e: {  	[sflag:s22] =	ssyncadd.s32 $0xFFFFEC00;
	s0 =	sadd.s32 $0x0, s7  }
0x3f: {  	[hbm4b:s0+s4] =	stream.linear.scatter [tilespmem:s12], [sflag:$0x3], $0x1400, $0x38;
	[tilespmem:$0x11700] =	vst v63  }
0x40: {  	_ =	swait.ge [sflag:s9], $0x1400  }
0x41: {  	s2 =	rddreg [dreg:$0x5];
	[sflag:s9] =	ssyncset.done $0x0  }
0x42: {  	[sflag:s9] =	ssyncadd.s32 $0xFFFFEC00;
	s2 =	sadd.s32 $0x0, s2  }
0x43: {  	[hbm4b:s2+s4] =	stream.linear.scatter [tilespmem:s13], [sflag:$0x3], $0x1400, $0x38;
	[tilespmem:$0x11700] =	vst v63  }
0x44: {  	_ =	swait.ge [sflag:s9], $0x1400  }
0x45: {  	s6 =	rddreg [dreg:$0x6];
	[sflag:s9] =	ssyncset.done $0x0  }
0x46: {  	[sflag:s9] =	ssyncadd.s32 $0xFFFFEC00;
	s6 =	sadd.s32 $0x0, s6  }
0x47: {  	[hbm4b:s6+s4] =	stream.linear.scatter [tilespmem:s14], [sflag:$0x3], $0x1400, $0x38;
	[tilespmem:$0x11700] =	vst v63  }
0x48: {  	_ =	swait.ge [sflag:s9], $0x1400  }
0x49: {  	s7 =	rddreg [dreg:$0x7];
	[sflag:s9] =	ssyncset.done $0x0  }
0x4a: {  	[sflag:s9] =	ssyncadd.s32 $0xFFFFEC00;
	s7 =	sadd.s32 $0x0, s7  }
0x4b: {  	[hbm4b:s7+s4] =	stream.linear.scatter [tilespmem:s15], [sflag:$0x3], $0x1400, $0x38;
	[tilespmem:$0x11700] =	vst v63  }
0x4c: {  	_ =	swait.ge [sflag:s9], $0x1400  }
0x4d: {  	s25 =	rddreg [dreg:$0x8];
	[sflag:s9] =	ssyncset.done $0x0  }
0x4e: {  	[sflag:s9] =	ssyncadd.s32 $0xFFFFEC00;
	s25 =	sadd.s32 $0x0, s25  }
0x4f: {  	[hbm4b:s25+s4] =	stream.linear.scatter [tilespmem:s16], [sflag:$0x3], $0x1400, $0x38;
	[tilespmem:$0x11700] =	vst v63  }
0x50: {  	_ =	swait.ge [sflag:s9], $0x1400  }
0x51: {  	s26 =	simm.s32 $0x50;
	p0 =	por $0x0, $0x0;
	[sflag:s9] =	ssyncset.done $0x0  }
0x52: {  	s28 =	simm.s32 @!p0 $0x28;
	s29 =	simm.s32 @!p0 $0x4F00;
	[sflag:s9] =	ssyncadd.s32 $0xFFFFEC00  }
0x53: {  	[tilespmem:s29], [sflag:$0x1] =	stream.indirect.gather @!p0 [hbm4b:s1+s28], $0x80, s26, s28, $0xb8;
	[tilespmem:$0x11700] =	vst v63  }
0x54: {  	s29 =	simm.s32 @!p0 $0x6300  }
0x55: {  	[tilespmem:s29], [sflag:$0x1] =	stream.indirect.gather @!p0 [hbm4b:s3+s28], $0x80, s26, s28, $0xb8;
	[tilespmem:$0x11700] =	vst v63  }
0x56: {  	s29 =	simm.s32 @!p0 $0x7700  }
0x57: {  	[tilespmem:s29], [sflag:$0x1] =	stream.indirect.gather @!p0 [hbm4b:s5+s28], $0x80, s26, s28, $0xb8;
	[tilespmem:$0x11700] =	vst v63  }
0x58: {  	s26 =	simm.s32 $0x27D0;
	s29 =	simm.s32 @!p0 $0x8B00  }
0x59: {  	[tilespmem:s29], [sflag:$0x1] =	stream.indirect.gather @!p0 [hbm4b:s1+s28], $0x80, s26, s28, $0xb8;
	[tilespmem:$0x11700] =	vst v63  }
0x5a: {  	s29 =	simm.s32 @!p0 $0x9F00  }
0x5b: {  	[tilespmem:s29], [sflag:$0x1] =	stream.indirect.gather @!p0 [hbm4b:s5+s28], $0x80, s26, s28, $0xb8;
	[tilespmem:$0x11700] =	vst v63  }
0x5c: {  	_ =	swait.ge [sflag:s23], $0x1400  }
0x5d: {  	[sflag:s23] =	ssyncset.done $0x0  }
0x5e: {  	[sflag:s23] =	ssyncadd.s32 $0xFFFFEC00  }
0x5f: {  	_ =	swait.ge [sflag:s23], $0x1400  }
0x60: {  	[sflag:s23] =	ssyncset.done $0x0  }
0x61: {  	[sflag:s23] =	ssyncadd.s32 $0xFFFFEC00  }
0x62: {  	_ =	swait.ge [sflag:s23], $0x1400  }
0x63: {  	[sflag:s23] =	ssyncset.done $0x0  }
0x64: {  	[sflag:s23] =	ssyncadd.s32 $0xFFFFEC00  }
0x65: {  	_ =	swait.ge [sflag:s23], $0x1400  }
0x66: {  	[sflag:s23] =	ssyncset.done $0x0  }
0x67: {  	[sflag:s23] =	ssyncadd.s32 $0xFFFFEC00  }
0x68: {  	_ =	swait.ge [sflag:s23], $0x1400  }
0x69: {  	[sflag:s23] =	ssyncset.done $0x0  }
0x6a: {  	s0 =	sadd.s32 $0x280, s0;
	[sflag:s23] =	ssyncadd.s32 $0xFFFFEC00  }
0x6b: {  	[hbm4b:s0+s4] =	stream.linear.scatter [tilespmem:s17], [sflag:$0x3], $0x1400, $0x38;
	[tilespmem:$0x11700] =	vst v63  }
0x6c: {  	_ =	swait.ge [sflag:s9], $0x1400  }
0x6d: {  	[sflag:s9] =	ssyncset.done $0x0  }
0x6e: {  	s8 =	sadd.s32 $0x280, s2;
	[sflag:s9] =	ssyncadd.s32 $0xFFFFEC00  }
0x6f: {  	[hbm4b:s8+s4] =	stream.linear.scatter [tilespmem:s18], [sflag:$0x3], $0x1400, $0x38;
	[tilespmem:$0x11700] =	vst v63  }
0x70: {  	_ =	swait.ge [sflag:s9], $0x1400  }
0x71: {  	[sflag:s9] =	ssyncset.done $0x0  }
0x72: {  	s26 =	sadd.s32 $0x280, s6;
	[sflag:s9] =	ssyncadd.s32 $0xFFFFEC00  }
0x73: {  	[hbm4b:s26+s4] =	stream.linear.scatter [tilespmem:s19], [sflag:$0x3], $0x1400, $0x38;
	[tilespmem:$0x11700] =	vst v63  }
0x74: {  	_ =	swait.ge [sflag:s9], $0x1400  }
0x75: {  	[sflag:s9] =	ssyncset.done $0x0  }
0x76: {  	s30 =	sadd.s32 $0x280, s7;
	[sflag:s9] =	ssyncadd.s32 $0xFFFFEC00  }
0x77: {  	[hbm4b:s30+s4] =	stream.linear.scatter [tilespmem:s20], [sflag:$0x3], $0x1400, $0x38;
	[tilespmem:$0x11700] =	vst v63  }
0x78: {  	_ =	swait.ge [sflag:s9], $0x1400  }
0x79: {  	[sflag:s9] =	ssyncset.done $0x0  }
0x7a: {  	s31 =	sadd.s32 $0x280, s25;
	[sflag:s9] =	ssyncadd.s32 $0xFFFFEC00  }
0x7b: {  	[hbm4b:s31+s4] =	stream.linear.scatter [tilespmem:s21], [sflag:$0x3], $0x1400, $0x38;
	[tilespmem:$0x11700] =	vst v63  }
0x7c: {  	s25 =	simm.s32 $0x2820;
	s28 =	simm.s32 $0x500;
	_ =	swait.ge [sflag:s9], $0x1400  }
0x7d: {  	s29 =	simm.s32 $0xA00;
	s26 =	simm.s32 $0xA0;
	[sflag:s9] =	ssyncset.done $0x0  }
.LBB2_2:
0x7e: {  	s0 =	sadd.s32 $0xFFFFFFD8, s26;
	[sflag:s9] =	ssyncadd.s32 $0xFFFFEC00  }
0x7f: {  	[tilespmem:s17], [sflag:$0x2] =	stream.indirect.gather [hbm4b:s1+s11], $0x80, s0, s11, $0xb8;
	[tilespmem:$0x11700] =	vst v63  }
0x80: {  	_ = 	snop  }
0x81: {  	[tilespmem:s18], [sflag:$0x2] =	stream.indirect.gather [hbm4b:s3+s11], $0x80, s0, s11, $0xb8;
	[tilespmem:$0x11700] =	vst v63  }
0x82: {  	_ = 	snop  }
0x83: {  	[tilespmem:s19], [sflag:$0x2] =	stream.indirect.gather [hbm4b:s5+s11], $0x80, s0, s11, $0xb8;
	[tilespmem:$0x11700] =	vst v63  }
0x84: {  	s2 =	sadd.s32 $0xFFFFFFD8, s25  }
0x85: {  	[tilespmem:s20], [sflag:$0x2] =	stream.indirect.gather [hbm4b:s1+s11], $0x80, s2, s11, $0xb8;
	[tilespmem:$0x11700] =	vst v63  }
0x86: {  	_ = 	snop  }
0x87: {  	[tilespmem:s21], [sflag:$0x2] =	stream.indirect.gather [hbm4b:s5+s11], $0x80, s2, s11, $0xb8;
	[tilespmem:$0x11700] =	vst v63  }
0x88: {  	_ =	swait.ge [sflag:s22], $0x1400  }
0x89: {  	[sflag:s22] =	ssyncset.done $0x0  }
0x8a: {  	[sflag:s22] =	ssyncadd.s32 $0xFFFFEC00  }
0x8b: {  	_ =	swait.ge [sflag:s22], $0x1400  }
0x8c: {  	[sflag:s22] =	ssyncset.done $0x0  }
0x8d: {  	[sflag:s22] =	ssyncadd.s32 $0xFFFFEC00  }
0x8e: {  	_ =	swait.ge [sflag:s22], $0x1400  }
0x8f: {  	[sflag:s22] =	ssyncset.done $0x0  }
0x90: {  	[sflag:s22] =	ssyncadd.s32 $0xFFFFEC00  }
0x91: {  	_ =	swait.ge [sflag:s22], $0x1400  }
0x92: {  	[sflag:s22] =	ssyncset.done $0x0  }
0x93: {  	[sflag:s22] =	ssyncadd.s32 $0xFFFFEC00  }
0x94: {  	_ =	swait.ge [sflag:s22], $0x1400  }
0x95: {  	s6 =	rddreg [dreg:$0x4];
	[sflag:s22] =	ssyncset.done $0x0  }
0x96: {  	[sflag:s22] =	ssyncadd.s32 $0xFFFFEC00;
	s30 =	sadd.s32 s28, s6  }
0x97: {  	[hbm4b:s30+s4] =	stream.linear.scatter [tilespmem:s12], [sflag:$0x3], $0x1400, $0x38;
	[tilespmem:$0x11700] =	vst v63  }
0x98: {  	_ =	swait.ge [sflag:s9], $0x1400  }
0x99: {  	s7 =	rddreg [dreg:$0x5];
	[sflag:s9] =	ssyncset.done $0x0  }
0x9a: {  	[sflag:s9] =	ssyncadd.s32 $0xFFFFEC00;
	s2 =	sadd.s32 s28, s7  }
0x9b: {  	[hbm4b:s2+s4] =	stream.linear.scatter [tilespmem:s13], [sflag:$0x3], $0x1400, $0x38;
	[tilespmem:$0x11700] =	vst v63  }
0x9c: {  	_ =	swait.ge [sflag:s9], $0x1400  }
0x9d: {  	s8 =	rddreg [dreg:$0x6];
	[sflag:s9] =	ssyncset.done $0x0  }
0x9e: {  	[sflag:s9] =	ssyncadd.s32 $0xFFFFEC00;
	s0 =	sadd.s32 s28, s8  }
0x9f: {  	[hbm4b:s0+s4] =	stream.linear.scatter [tilespmem:s14], [sflag:$0x3], $0x1400, $0x38;
	[tilespmem:$0x11700] =	vst v63  }
0xa0: {  	_ =	swait.ge [sflag:s9], $0x1400  }
0xa1: {  	s6 =	rddreg [dreg:$0x7];
	[sflag:s9] =	ssyncset.done $0x0  }
0xa2: {  	[sflag:s9] =	ssyncadd.s32 $0xFFFFEC00;
	s6 =	sadd.s32 s28, s6  }
0xa3: {  	[hbm4b:s6+s4] =	stream.linear.scatter [tilespmem:s15], [sflag:$0x3], $0x1400, $0x38;
	[tilespmem:$0x11700] =	vst v63  }
0xa4: {  	_ =	swait.ge [sflag:s9], $0x1400  }
0xa5: {  	s7 =	rddreg [dreg:$0x8];
	[sflag:s9] =	ssyncset.done $0x0  }
0xa6: {  	[sflag:s9] =	ssyncadd.s32 $0xFFFFEC00;
	s7 =	sadd.s32 s28, s7  }
0xa7: {  	[hbm4b:s7+s4] =	stream.linear.scatter [tilespmem:s16], [sflag:$0x3], $0x1400, $0x38;
	[tilespmem:$0x11700] =	vst v63  }
0xa8: {  	p1 =	seq.s32 s28, $0x26C00;
	_ =	swait.ge [sflag:s9], $0x1400  }
0xa9: {  	s31 =	smov.u32 s29;
	s8 =	simm.s32 @!p1 $0x4F00;
	[sflag:s9] =	ssyncset.done $0x0  }
0xaa: {  	s28 =	smov.u32 s31;
	s31 =	simm.s32 @!p1 $0x28;
	[sflag:s9] =	ssyncadd.s32 $0xFFFFEC00  }
0xab: {  	[tilespmem:s8], [sflag:$0x1] =	stream.indirect.gather @!p1 [hbm4b:s1+s31], $0x80, s26, s31, $0xb8;
	[tilespmem:$0x11700] =	vst v63  }
0xac: {  	s8 =	simm.s32 @!p1 $0x6300  }
0xad: {  	[tilespmem:s8], [sflag:$0x1] =	stream.indirect.gather @!p1 [hbm4b:s3+s31], $0x80, s26, s31, $0xb8;
	[tilespmem:$0x11700] =	vst v63  }
0xae: {  	s8 =	simm.s32 @!p1 $0x7700  }
0xaf: {  	[tilespmem:s8], [sflag:$0x1] =	stream.indirect.gather @!p1 [hbm4b:s5+s31], $0x80, s26, s31, $0xb8;
	[tilespmem:$0x11700] =	vst v63  }
0xb0: {  	s8 =	simm.s32 @!p1 $0x8B00  }
0xb1: {  	[tilespmem:s8], [sflag:$0x1] =	stream.indirect.gather @!p1 [hbm4b:s1+s31], $0x80, s25, s31, $0xb8;
	[tilespmem:$0x11700] =	vst v63  }
0xb2: {  	s8 =	simm.s32 @!p1 $0x9F00  }
0xb3: {  	[tilespmem:s8], [sflag:$0x1] =	stream.indirect.gather @!p1 [hbm4b:s5+s31], $0x80, s25, s31, $0xb8;
	[tilespmem:$0x11700] =	vst v63  }
0xb4: {  	_ =	swait.ge [sflag:s23], $0x1400  }
0xb5: {  	[sflag:s23] =	ssyncset.done $0x0  }
0xb6: {  	[sflag:s23] =	ssyncadd.s32 $0xFFFFEC00  }
0xb7: {  	_ =	swait.ge [sflag:s23], $0x1400  }
0xb8: {  	[sflag:s23] =	ssyncset.done $0x0  }
0xb9: {  	[sflag:s23] =	ssyncadd.s32 $0xFFFFEC00  }
0xba: {  	_ =	swait.ge [sflag:s23], $0x1400  }
0xbb: {  	[sflag:s23] =	ssyncset.done $0x0  }
0xbc: {  	[sflag:s23] =	ssyncadd.s32 $0xFFFFEC00  }
0xbd: {  	_ =	swait.ge [sflag:s23], $0x1400  }
0xbe: {  	[sflag:s23] =	ssyncset.done $0x0  }
0xbf: {  	[sflag:s23] =	ssyncadd.s32 $0xFFFFEC00  }
0xc0: {  	_ =	swait.ge [sflag:s23], $0x1400  }
0xc1: {  	[sflag:s23] =	ssyncset.done $0x0  }
0xc2: {  	s31 =	sadd.s32 $0x280, s30;
	[sflag:s23] =	ssyncadd.s32 $0xFFFFEC00  }
0xc3: {  	[hbm4b:s31+s4] =	stream.linear.scatter [tilespmem:s17], [sflag:$0x3], $0x1400, $0x38;
	[tilespmem:$0x11700] =	vst v63  }
0xc4: {  	_ =	swait.ge [sflag:s9], $0x1400  }
0xc5: {  	[sflag:s9] =	ssyncset.done $0x0  }
0xc6: {  	s2 =	sadd.s32 $0x280, s2;
	[sflag:s9] =	ssyncadd.s32 $0xFFFFEC00  }
0xc7: {  	[hbm4b:s2+s4] =	stream.linear.scatter [tilespmem:s18], [sflag:$0x3], $0x1400, $0x38;
	[tilespmem:$0x11700] =	vst v63  }
0xc8: {  	_ =	swait.ge [sflag:s9], $0x1400  }
0xc9: {  	[sflag:s9] =	ssyncset.done $0x0  }
0xca: {  	s0 =	sadd.s32 $0x280, s0;
	[sflag:s9] =	ssyncadd.s32 $0xFFFFEC00  }
0xcb: {  	[hbm4b:s0+s4] =	stream.linear.scatter [tilespmem:s19], [sflag:$0x3], $0x1400, $0x38;
	[tilespmem:$0x11700] =	vst v63  }
0xcc: {  	_ =	swait.ge [sflag:s9], $0x1400  }
0xcd: {  	[sflag:s9] =	ssyncset.done $0x0  }
0xce: {  	s29 =	sadd.s32 $0x500, s29;
	s30 =	sadd.s32 $0x280, s6;
	[sflag:s9] =	ssyncadd.s32 $0xFFFFEC00  }
0xcf: {  	[hbm4b:s30+s4] =	stream.linear.scatter [tilespmem:s20], [sflag:$0x3], $0x1400, $0x38;
	[tilespmem:$0x11700] =	vst v63  }
0xd0: {  	p0 =	sne.s32 s29, $0x27100;
	_ =	swait.ge [sflag:s9], $0x1400  }
.Ltmp0:
0xd1: {  	[sflag:s9] =	ssyncset.done $0x0;
	(pc) =	sbr.rel @p0 .LBB2_2-.Ltmp0, $4  }
0xd2: {  	s31 =	sadd.s32 $0x280, s7;
	[sflag:s9] =	ssyncadd.s32 $0xFFFFEC00  }
0xd3: {  	[hbm4b:s31+s4] =	stream.linear.scatter [tilespmem:s21], [sflag:$0x3], $0x1400, $0x38;
	[tilespmem:$0x11700] =	vst v63  }
0xd4: {  	_ =	swait.ge [sflag:s9], $0x1400  }
0xd5: {  	s26 =	sadd.s32 $0x50, s26;
	s25 =	sadd.s32 $0x50, s25;
	[sflag:s9] =	ssyncset.done $0x0  }
0xd6: {  	s0 =	sadd.s32 $0xFFFFFFD8, s26;
	[sflag:s9] =	ssyncadd.s32 $0xFFFFEC00  }
0xd7: {  	[tilespmem:s17], [sflag:$0x2] =	stream.indirect.gather [hbm4b:s1+s11], $0x80, s0, s11, $0xb8;
	[tilespmem:$0x11700] =	vst v63  }
0xd8: {  	_ = 	snop  }
0xd9: {  	[tilespmem:s18], [sflag:$0x2] =	stream.indirect.gather [hbm4b:s3+s11], $0x80, s0, s11, $0xb8;
	[tilespmem:$0x11700] =	vst v63  }
0xda: {  	_ = 	snop  }
0xdb: {  	[tilespmem:s19], [sflag:$0x2] =	stream.indirect.gather [hbm4b:s5+s11], $0x80, s0, s11, $0xb8;
	[tilespmem:$0x11700] =	vst v63  }
0xdc: {  	s7 =	sadd.s32 $0xFFFFFFD8, s25  }
0xdd: {  	[tilespmem:s20], [sflag:$0x2] =	stream.indirect.gather [hbm4b:s1+s11], $0x80, s7, s11, $0xb8;
	[tilespmem:$0x11700] =	vst v63  }
0xde: {  	_ = 	snop  }
0xdf: {  	[tilespmem:s21], [sflag:$0x2] =	stream.indirect.gather [hbm4b:s5+s11], $0x80, s7, s11, $0xb8;
	[tilespmem:$0x11700] =	vst v63  }
0xe0: {  	_ =	swait.ge [sflag:s22], $0x1400  }
0xe1: {  	[sflag:s22] =	ssyncset.done $0x0  }
0xe2: {  	[sflag:s22] =	ssyncadd.s32 $0xFFFFEC00  }
0xe3: {  	_ =	swait.ge [sflag:s22], $0x1400  }
0xe4: {  	[sflag:s22] =	ssyncset.done $0x0  }
0xe5: {  	[sflag:s22] =	ssyncadd.s32 $0xFFFFEC00  }
0xe6: {  	_ =	swait.ge [sflag:s22], $0x1400  }
0xe7: {  	[sflag:s22] =	ssyncset.done $0x0  }
0xe8: {  	[sflag:s22] =	ssyncadd.s32 $0xFFFFEC00  }
0xe9: {  	_ =	swait.ge [sflag:s22], $0x1400  }
0xea: {  	[sflag:s22] =	ssyncset.done $0x0  }
0xeb: {  	[sflag:s22] =	ssyncadd.s32 $0xFFFFEC00  }
0xec: {  	_ =	swait.ge [sflag:s22], $0x1400  }
0xed: {  	s8 =	rddreg [dreg:$0x4];
	[sflag:s22] =	ssyncset.done $0x0  }
0xee: {  	[sflag:s22] =	ssyncadd.s32 $0xFFFFEC00;
	s0 =	sadd.s32 s28, s8  }
0xef: {  	[hbm4b:s0+s4] =	stream.linear.scatter [tilespmem:s12], [sflag:$0x3], $0x1400, $0x38;
	[tilespmem:$0x11700] =	vst v63  }
0xf0: {  	_ =	swait.ge [sflag:s9], $0x1400  }
0xf1: {  	s2 =	rddreg [dreg:$0x5];
	[sflag:s9] =	ssyncset.done $0x0  }
0xf2: {  	[sflag:s9] =	ssyncadd.s32 $0xFFFFEC00;
	s2 =	sadd.s32 s28, s2  }
0xf3: {  	[hbm4b:s2+s4] =	stream.linear.scatter [tilespmem:s13], [sflag:$0x3], $0x1400, $0x38;
	[tilespmem:$0x11700] =	vst v63  }
0xf4: {  	_ =	swait.ge [sflag:s9], $0x1400  }
0xf5: {  	s6 =	rddreg [dreg:$0x6];
	[sflag:s9] =	ssyncset.done $0x0  }
0xf6: {  	[sflag:s9] =	ssyncadd.s32 $0xFFFFEC00;
	s6 =	sadd.s32 s28, s6  }
0xf7: {  	[hbm4b:s6+s4] =	stream.linear.scatter [tilespmem:s14], [sflag:$0x3], $0x1400, $0x38;
	[tilespmem:$0x11700] =	vst v63  }
0xf8: {  	_ =	swait.ge [sflag:s9], $0x1400  }
0xf9: {  	s7 =	rddreg [dreg:$0x7];
	[sflag:s9] =	ssyncset.done $0x0  }
0xfa: {  	[sflag:s9] =	ssyncadd.s32 $0xFFFFEC00;
	s7 =	sadd.s32 s28, s7  }
0xfb: {  	[hbm4b:s7+s4] =	stream.linear.scatter [tilespmem:s15], [sflag:$0x3], $0x1400, $0x38;
	[tilespmem:$0x11700] =	vst v63  }
0xfc: {  	_ =	swait.ge [sflag:s9], $0x1400  }
0xfd: {  	s8 =	rddreg [dreg:$0x8];
	[sflag:s9] =	ssyncset.done $0x0  }
0xfe: {  	[sflag:s9] =	ssyncadd.s32 $0xFFFFEC00;
	s8 =	sadd.s32 s28, s8  }
0xff: {  	[hbm4b:s8+s4] =	stream.linear.scatter [tilespmem:s16], [sflag:$0x3], $0x1400, $0x38;
	[tilespmem:$0x11700] =	vst v63  }
0x100: {  	_ =	swait.ge [sflag:s9], $0x1400  }
0x101: {  	p0 =	seq.s32 s28, $0x26C00;
	[sflag:s9] =	ssyncset.done $0x0  }
0x102: {  	s29 =	simm.s32 @!p0 $0x4F00;
	s28 =	simm.s32 @!p0 $0x28;
	[sflag:s9] =	ssyncadd.s32 $0xFFFFEC00  }
0x103: {  	[tilespmem:s29], [sflag:$0x1] =	stream.indirect.gather @!p0 [hbm4b:s1+s28], $0x80, s26, s28, $0xb8;
	[tilespmem:$0x11700] =	vst v63  }
0x104: {  	s29 =	simm.s32 @!p0 $0x6300  }
0x105: {  	[tilespmem:s29], [sflag:$0x1] =	stream.indirect.gather @!p0 [hbm4b:s3+s28], $0x80, s26, s28, $0xb8;
	[tilespmem:$0x11700] =	vst v63  }
0x106: {  	s29 =	simm.s32 @!p0 $0x7700  }
0x107: {  	[tilespmem:s29], [sflag:$0x1] =	stream.indirect.gather @!p0 [hbm4b:s5+s28], $0x80, s26, s28, $0xb8;
	[tilespmem:$0x11700] =	vst v63  }
0x108: {  	s26 =	simm.s32 @!p0 $0x8B00  }
0x109: {  	[tilespmem:s26], [sflag:$0x1] =	stream.indirect.gather @!p0 [hbm4b:s1+s28], $0x80, s25, s28, $0xb8;
	[tilespmem:$0x11700] =	vst v63  }
0x10a: {  	s26 =	simm.s32 @!p0 $0x9F00  }
0x10b: {  	[tilespmem:s26], [sflag:$0x1] =	stream.indirect.gather @!p0 [hbm4b:s5+s28], $0x80, s25, s28, $0xb8;
	[tilespmem:$0x11700] =	vst v63  }
0x10c: {  	_ =	swait.ge [sflag:s23], $0x1400  }
0x10d: {  	[sflag:s23] =	ssyncset.done $0x0  }
0x10e: {  	[sflag:s23] =	ssyncadd.s32 $0xFFFFEC00  }
0x10f: {  	_ =	swait.ge [sflag:s23], $0x1400  }
0x110: {  	[sflag:s23] =	ssyncset.done $0x0  }
0x111: {  	[sflag:s23] =	ssyncadd.s32 $0xFFFFEC00  }
0x112: {  	_ =	swait.ge [sflag:s23], $0x1400  }
0x113: {  	[sflag:s23] =	ssyncset.done $0x0  }
0x114: {  	[sflag:s23] =	ssyncadd.s32 $0xFFFFEC00  }
0x115: {  	_ =	swait.ge [sflag:s23], $0x1400  }
0x116: {  	[sflag:s23] =	ssyncset.done $0x0  }
0x117: {  	[sflag:s23] =	ssyncadd.s32 $0xFFFFEC00  }
0x118: {  	_ =	swait.ge [sflag:s23], $0x1400  }
0x119: {  	[sflag:s23] =	ssyncset.done $0x0  }
0x11a: {  	s0 =	sadd.s32 $0x280, s0;
	[sflag:s23] =	ssyncadd.s32 $0xFFFFEC00  }
0x11b: {  	[hbm4b:s0+s4] =	stream.linear.scatter [tilespmem:s17], [sflag:$0x3], $0x1400, $0x38;
	[tilespmem:$0x11700] =	vst v63  }
0x11c: {  	_ =	swait.ge [sflag:s9], $0x1400  }
0x11d: {  	[sflag:s9] =	ssyncset.done $0x0  }
0x11e: {  	s26 =	sadd.s32 $0x280, s2;
	[sflag:s9] =	ssyncadd.s32 $0xFFFFEC00  }
0x11f: {  	[hbm4b:s26+s4] =	stream.linear.scatter [tilespmem:s18], [sflag:$0x3], $0x1400, $0x38;
	[tilespmem:$0x11700] =	vst v63  }
0x120: {  	_ =	swait.ge [sflag:s9], $0x1400  }
0x121: {  	[sflag:s9] =	ssyncset.done $0x0  }
0x122: {  	s28 =	sadd.s32 $0x280, s6;
	[sflag:s9] =	ssyncadd.s32 $0xFFFFEC00  }
0x123: {  	[hbm4b:s28+s4] =	stream.linear.scatter [tilespmem:s19], [sflag:$0x3], $0x1400, $0x38;
	[tilespmem:$0x11700] =	vst v63  }
0x124: {  	_ =	swait.ge [sflag:s9], $0x1400  }
0x125: {  	[sflag:s9] =	ssyncset.done $0x0  }
0x126: {  	s29 =	sadd.s32 $0x280, s7;
	[sflag:s9] =	ssyncadd.s32 $0xFFFFEC00  }
0x127: {  	[hbm4b:s29+s4] =	stream.linear.scatter [tilespmem:s20], [sflag:$0x3], $0x1400, $0x38;
	[tilespmem:$0x11700] =	vst v63  }
0x128: {  	_ =	swait.ge [sflag:s9], $0x1400  }
0x129: {  	[sflag:s9] =	ssyncset.done $0x0  }
0x12a: {  	s30 =	sadd.s32 $0x280, s8;
	[sflag:s9] =	ssyncadd.s32 $0xFFFFEC00  }
0x12b: {  	[hbm4b:s30+s4] =	stream.linear.scatter [tilespmem:s21], [sflag:$0x3], $0x1400, $0x38;
	[tilespmem:$0x11700] =	vst v63  }
0x12c: {  	_ =	swait.ge [sflag:s9], $0x1400  }
0x12d: {  	s24 =	sadd.s32 $0x1, s24;
	s31 =	rddreg [dreg:$0xb]  }
0x12e: {  	p0 =	sne.s32 s24, s31  }
.Ltmp1:
0x12f: {  	_ = 	snop;
	(pc) =	sbr.rel @p0 .LBB2_1-.Ltmp1, $3  }
0x130: {  	_ =	sdelay $0x1  }
0x131: {  	[sflag:s9] =	ssyncset.done $0x0  }
0x132: {  	[sflag:s9] =	ssyncadd.s32 $0xFFFFEC00  }
0x133: {  	_ =	sfence.sel $0x180000  }
0x134: {  	[bflag:$0x0] =	sbarrier.arrive $0xFFFF  }
0x135: {  	_ =	strace $0x90000047  }
0x136: {  	s0 =	stileid.u32;
	[bflag:$0x2] =	sbarrier.arrive $0xFFFF  }
0x137: {  	p0 =	sne.s32 s0, $0x0;
	s0 =	rddreg [dreg:$0x3]  }
0x138: {  	s0 =	sadd.s32 @!p0 $0x100000, s0  }
0x139: {  	[sflag:s0] =	ssyncadd.tile.s32 @!p0 $0x1;
	_ =	shalt  }
.Lfunc_end2:
_tile_overlayer_lowered:
.L_overlay_start_2:
0x13a: {  	(tag) =	ssettag $0x2  }
0x13b: {  	s0 =	rddreg [dreg:$0x0];
	s2 =	stileid.u32  }
0x13c: {  	s1 =	rddreg [dreg:$0x1];
	p0 =	sne.s32 s2, $0x0  }
0x13d: {  	s3 =	rddreg [dreg:$0x2];
	[bflag:$0x3] =	sbarrier.arrive $0xFFFF;
	s2 =	simm.s32 @!p0 $0x1C03  }
0x13e: {  	[timem:s3], [sflag:s2] =	dma.local @!p0 [hbm:s0], s1  }
0x13f: {  	s0 =	simm.s32 @!p0 $0x3  }
0x140: {  	_ =	swait.ge @!p0 [sflag:s0], s1  }
0x141: {  	s1 =	ssub.s32 @!p0 $0x0, s1;
	[sflag:s0] =	ssyncset.done @!p0 $0x0  }
0x142: {  	[sflag:s0] =	ssyncadd.s32 @!p0 s1  }
0x143: {  	[bflag:$0x3] =	sbarrier.arrive $0xFFFF  }
0x144: {  	_ =	shalt  }

// kernel: kernel.9.cloned.1.call-start
scs
__scs_entry_jumppad:
0x0: {  	(pc) =	sbr.rel $0x88, $3  }
0x1: {  	(tag) =	ssettag $0x0;
	lr =	simm.s32 $0x1  }
0x2: {  	[smem:$0x3F8A] =	sst lr;
	_ =	strace $0xD0000000  }
0x3: {  	_ = 	snop  }
0x4: {  	_ = 	snop  }
0x5: {  	_ = 	snop  }
0x6: {  	_ = 	snop  }
0x7: {  	_ = 	snop  }
__scs_overlays_trampoline_lowered:
0x8: {  	[smem:$0x3F99] =	sst s0  }
0x9: {  	[smem:$0x3F9A] =	sst s1  }
0xa: {  	[smem:$0x3F9B] =	sst s2  }
0xb: {  	[smem:$0x3F9C] =	sst s3  }
0xc: {  	[smem:$0x3F9D] =	sst s4  }
0xd: {  	[smem:$0x3F9E] =	sst s5  }
0xe: {  	[smem:$0x3F9F] =	sst s6  }
0xf: {  	[smem:$0x3FA0] =	sst s7  }
0x10: {  	[smem:$0x3FA1] =	sst s8  }
0x11: {  	[smem:$0x3FA2] =	sst s9;
	s0 =	simm.s32 @!p0 $0x0  }
0x12: {  	s1 =	sld [smem:$0x3F88];
	s0 =	simm.s32 @p0 $0x1  }
0x13: {  	[smem:$0x3FA3] =	sst s0;
	s0 =	simm.s32 @!p1 $0x0  }
0x14: {  	s2 =	sld [smem:$0x3F87];
	s0 =	simm.s32 @p1 $0x1  }
0x15: {  	[smem:$0x3FA4] =	sst s0;
	s0 =	simm.s32 @!p2 $0x0  }
0x16: {  	s3 =	sld [smem:$0x3FDB];
	s0 =	simm.s32 @p2 $0x1  }
0x17: {  	s4 =	simm.s32 $0x1BF5;
	[smem:$0x3FA6] =	sst s0  }
0x18: {  	s0 =	sld [smem:$0x3F89];
	_ =	swait.ge [sflag:s4], $0x0  }
0x19: {  	s7 =	sld [smem:$0x3F8A]  }
0x1a: {  	s8 =	sadd.s32 $0xFFFFE003, lr  }
0x1b: {  	s9 =	sadd.s32 $0xFFFFFEF7, lr;
	s5 =	simm.s32 $0xFFFFFFFF;
	p2 =	slt.u32 s8, $0xFFFFF086  }
0x1c: {  	p1 =	slt.u32 s9, $0xF7A;
	s5 =	simm.s32 @!p2 $0x0  }
0x1d: {  	s5 =	simm.s32 @p1 $0x1;
	p0 =	seq.s32 s7, s2  }
0x1e: {  	s7 =	smul.u32 @!p0 $0xF7A, s2;
	p2 =	seq.s32 @!p0 s5, $0x0  }
0x1f: {  	s9 =	smul.u32 $0xF7A, s1;
	s8 =	simm.s32 @!p0 $0x1BF5;
	p2 =	por !p2, p0  }
0x20: {  	[sflag:s8] =	ssyncset.s32 @!p0 $0xFFFFF086;
	s6 =	sadd.s32 @!p0 s3, s7;
	s7 =	simm.s32 @!p0 $0x108  }
0x21: {  	s3 =	sadd.s32 s3, s9;
	s6 =	sadd.s32 @!p0 $0x88, s6;
	s7 =	simm.s32 @p2 $0x1082  }
0x22: {  	[simem:s7], [sflag:s8] =	dma.local @!p0 [hbm:s6], $0xF7A  }
0x23: {  	s9 =	sor.u32 $0xD0000000, s2;
	s6 =	simm.s32 $0x108;
	_ =	swait.ge @!p0 [sflag:s8], $0x0  }
0x24: {  	s3 =	sadd.s32 $0x88, s3;
	s6 =	simm.s32 @!p1 $0x1082;
	[sflag:s4] =	ssyncset.s32 $0xFFFFF086  }
0x25: {  	[simem:s6], [sflag:s4] =	dma.local [hbm:s3], $0xF7A  }
0x26: {  	[smem:$0x3F8A] =	sst s1;
	(tag) =	ssettag s2;
	_ =	strace s9  }
0x27: {  	s1 =	sld [smem:$0x3F9A]  }
0x28: {  	s2 =	sld [smem:$0x3F9B]  }
0x29: {  	s4 =	sld [smem:$0x3F9D]  }
0x2a: {  	p0 =	seq.s32 s5, $0x0;
	s5 =	sld [smem:$0x3F9E]  }
0x2b: {  	s6 =	sld [smem:$0x3F9F]  }
0x2c: {  	s7 =	sld [smem:$0x3FA0]  }
0x2d: {  	s3 =	simm.s32 $0x108;
	s8 =	sld [smem:$0x3FA1]  }
0x2e: {  	s3 =	simm.s32 @!p0 $0x1082;
	s9 =	sld [smem:$0x3FA2]  }
0x2f: {  	lr =	sadd.s32 s0, s3;
	s0 =	sld [smem:$0x3F99]  }
0x30: {  	s3 =	sld [smem:$0x3F9C]  }
0x31: {  	[smem:$0x3FA5] =	sst s10  }
0x32: {  	s10 =	sld [smem:$0x3FA3];
	_ =	sdelay $0x3  }
0x33: {  	p0 =	seq.s32 s10, $0x1;
	s10 =	sld [smem:$0x3FA5];
	_ =	sdelay $0x3  }
0x34: {  	[smem:$0x3FA5] =	sst s10  }
0x35: {  	s10 =	sld [smem:$0x3FA4];
	_ =	sdelay $0x3  }
0x36: {  	p1 =	seq.s32 s10, $0x1;
	s10 =	sld [smem:$0x3FA5];
	_ =	sdelay $0x3  }
0x37: {  	[smem:$0x3FA5] =	sst s10  }
0x38: {  	s10 =	sld [smem:$0x3FA6]  }
0x39: {  	_ = 	snop;
	(pc) =	sbr.ind lr, $3  }
0x3a: {  	_ = 	snop  }
0x3b: {  	_ = 	snop  }
0x3c: {  	p2 =	seq.s32 s10, $0x1;
	s10 =	sld [smem:$0x3FA5]  }
0x3d: {  	_ =	shalt  }
0x3e: {  	_ =	shalt  }
0x3f: {  	_ =	shalt  }
0x40: {  	_ =	shalt  }
0x41: {  	_ =	shalt  }
0x42: {  	_ =	shalt  }
0x43: {  	_ =	shalt  }
0x44: {  	_ =	shalt  }
0x45: {  	_ =	shalt  }
0x46: {  	_ =	shalt  }
0x47: {  	_ =	shalt  }
0x48: {  	_ =	shalt  }
0x49: {  	_ =	shalt  }
0x4a: {  	_ =	shalt  }
0x4b: {  	_ =	shalt  }
0x4c: {  	_ =	shalt  }
0x4d: {  	_ =	shalt  }
0x4e: {  	_ =	shalt  }
0x4f: {  	_ =	shalt  }
0x50: {  	_ =	shalt  }
0x51: {  	_ =	shalt  }
0x52: {  	_ =	shalt  }
0x53: {  	_ =	shalt  }
0x54: {  	_ =	shalt  }
0x55: {  	_ =	shalt  }
0x56: {  	_ =	shalt  }
0x57: {  	_ =	shalt  }
0x58: {  	_ =	shalt  }
0x59: {  	_ =	shalt  }
0x5a: {  	_ =	shalt  }
0x5b: {  	_ =	shalt  }
0x5c: {  	_ =	shalt  }
0x5d: {  	_ =	shalt  }
0x5e: {  	_ =	shalt  }
0x5f: {  	_ =	shalt  }
0x60: {  	_ =	shalt  }
0x61: {  	_ =	shalt  }
0x62: {  	_ =	shalt  }
0x63: {  	_ =	shalt  }
0x64: {  	_ =	shalt  }
0x65: {  	_ =	shalt  }
0x66: {  	_ =	shalt  }
0x67: {  	_ =	shalt  }
0x68: {  	_ =	shalt  }
0x69: {  	_ =	shalt  }
0x6a: {  	_ =	shalt  }
0x6b: {  	_ =	shalt  }
0x6c: {  	_ =	shalt  }
0x6d: {  	_ =	shalt  }
0x6e: {  	_ =	shalt  }
0x6f: {  	_ =	shalt  }
0x70: {  	_ =	shalt  }
0x71: {  	_ =	shalt  }
0x72: {  	_ =	shalt  }
0x73: {  	_ =	shalt  }
0x74: {  	_ =	shalt  }
0x75: {  	_ =	shalt  }
0x76: {  	_ =	shalt  }
0x77: {  	_ =	shalt  }
0x78: {  	_ =	shalt  }
0x79: {  	_ =	shalt  }
0x7a: {  	_ =	shalt  }
0x7b: {  	_ =	shalt  }
0x7c: {  	_ =	shalt  }
0x7d: {  	_ =	shalt  }
0x7e: {  	_ =	shalt  }
0x7f: {  	_ =	shalt  }
0x80: {  	_ =	shalt  }
0x81: {  	_ =	shalt  }
0x82: {  	_ =	shalt  }
0x83: {  	_ =	shalt  }
0x84: {  	_ =	shalt  }
0x85: {  	_ =	shalt  }
0x86: {  	_ =	shalt  }
0x87: {  	_ =	shalt  }
.Lfunc_end0:
.L_simem_size_0:
called_computation.1_lowered:
.L_overlay_start_0:
0x88: {  	s2 =	sld [smem:$0x3FD9]  }
0x89: {  	s3 =	sld [smem:$0x3FFE];
	_ =	sdelay $0x1  }
0x8a: {  	s1 =	srdreg.scid  }
0x8b: {  	s0 =	sand.u32 $0x1, s1  }
0x8c: {  	s16 =	sshll.u32 s0, $0xA;
	s2 =	sadd.s32 s3, s2  }
0x8d: {  	s2 =	sadd.s32 s2, s16  }
0x8e: {  	[smem:$0x3FB1] =	sst s2  }
0x8f: {  	_ = 	snop  }
0x90: {  	(tm) =	ssettm $0x1  }
0x91: {  	s17 =	sld [smem:$0x3FFB];
	_ =	sdelay $0x3  }
0x92: {  	_ =	strace s17  }
0x93: {  	s2 =	sld [smem:$0x3FFC];
	_ =	sdelay $0x3  }
0x94: {  	_ =	strace s2  }
0x95: {  	s2 =	sld [smem:$0x3FFD];
	_ =	sdelay $0x3  }
0x96: {  	_ =	strace s2  }
0x97: {  	_ =	strace $0x8FFFFFFF  }
0x98: {  	s18 =	sld [smem:$0x3FDB];
	_ =	sdelay $0x1  }
0x99: {  	s19 =	simm.s32 $_scs_section_size  }
0x9a: {  	s4 =	simm.s32 $_size__tile_overlayer_lowered;
	s5 =	simm.s32 $_tile_overlayer_lowered  }
0x9b: {  	s22 =	simm.s32 $0x1BFF;
	s21 =	sshll.u32 s5, $0x1;
	s2 =	sadd.s32 s19, s18  }
0x9c: {  	s6 =	simm.s32 $0x0;
	s20 =	sshll.u32 s4, $0x1;
	s4 =	sadd.s32 s21, s2  }
0x9d: {  	[timem:s6], [sflag:s22] =	dma.local [hbm:s4], s20  }
0x9e: {  	_ =	swait.ge [sflag:s22], s20  }
0x9f: {  	s3 =	ssub.s32 $0x0, s20;
	[sflag:s22] =	ssyncset.done $0x0  }
0xa0: {  	[sflag:s22] =	ssyncadd.s32 s3;
	_ =	sdelay $0x1  }
0xa1: {  	s23 =	simm.s32 $0x1B8B  }
0xa2: {  	_ =	swait.ge [sflag:s23], $0x1  }
0xa3: {  	[sflag:s23] =	ssyncset.done $0x0  }
0xa4: {  	s25 =	simm.s32 $0x1B8E;
	s24 =	sld [smem:$0x3FFE];
	[sflag:s23] =	ssyncadd.s32 $0xFFFFFFFF  }
0xa5: {  	s26 =	simm.s32 $execute0_lowered;
	[smem:$0x3FD2] =	sst s25  }
0xa6: {  	s4 =	sshll.u32 s26, $0x1;
	_ =	strace $0x80000049;
	[dreg:$0x1] =	wrdreg $0xFFFFFFFF  }
0xa7: {  	s28 =	simm.s32 $_size_execute0_lowered;
	s2 =	sadd.s32 s2, s4;
	[dreg:$0x0] =	wrdreg $0x0  }
0xa8: {  	s4 =	sshll.u32 s28, $0x1;
	[dreg:$0x2] =	wrdreg s2  }
0xa9: {  	[dreg:$0x3] =	wrdreg s4  }
0xaa: {  	[dreg:$0x4] =	wrdreg $0xC0  }
0xab: {  	_ =	task [dreg:s6], $0x5FFFF  }
0xac: {  	[dreg:$0x1] =	wrdreg $0xFFFFFFFF  }
0xad: {  	[dreg:$0x0] =	wrdreg $0x60  }
0xae: {  	[dreg:$0x2] =	wrdreg s24  }
0xaf: {  	[dreg:$0x3] =	wrdreg $0x51000  }
0xb0: {  	[dreg:$0x4] =	wrdreg $0x9  }
0xb1: {  	_ =	task.clear_ibuf [dreg:s6], $0x5FFFF;
	_ =	strace $0x90000049  }
0xb2: {  	s29 =	simm.s32 $0x9;
	_ =	strace $0x8000004B  }
0xb3: {  	_ =	swait.ge [sflag:s29], $0x1  }
0xb4: {  	[sflag:s29] =	ssyncadd.s32 $0xFFFFFFFF  }
0xb5: {  	_ =	strace $0x9000004B  }
0xb6: {  	_ =	sfence  }
0xb7: {  	s30 =	sld [smem:$0x0];
	_ =	sdelay $0x2  }
0xb8: {  	s31 =	sshll.u32 s1, $0xD;
	s1 =	sshrl.u32 s1, $0x2  }
0xb9: {  	s3 =	sand.u32 $0x4000, s31;
	s1 =	sadd.s32 s1, s30  }
0xba: {  	s0 =	sor.u32 s3, s0;
	s1 =	sshll.u32 s1, $0x11  }
0xbb: {  	s0 =	sor.u32 s1, s0  }
0xbc: {  	s0 =	sadd.s32 $0x8F2B, s0  }
0xbd: {  	[sflag:s0] =	ssyncadd.remote.s32 $0x1  }
0xbe: {  	_ =	sfence.sel $0xFFFF  }
0xbf: {  	[dreg:$0x0] =	wrdreg $0xFFFFFFFF;
	(pc) =	sbr.abs _section_cstart, $3  }
0xc0: {  	[dreg:$0x1] =	wrdreg $0xFFFFFFFF  }
0xc1: {  	_ =	task.clear_ibuf [dreg:s6], $0x2FFFF;
	_ =	strace $0x9FFFFFFF  }
0xc2: {  	(tm) =	ssettm $0x7FFFFFFF  }
0xc3: {  	_ =	shalt  }
tec
execute0_lowered:
.L_overlay_start_1:
0x0: {  	(tag) =	ssettag $0x1  }
0x1: {  	s7 =	rddreg [dreg:$0x0]  }
0x2: {  	s1 =	rddreg [dreg:$0x1]  }
0x3: {  	s0 =	rddreg [dreg:$0x2];
	s3 =	simm.s32 $0x0;
	s2 =	stileid.u32  }
0x4: {  	s5 =	srdreg.scid;
	s18 =	simm.s32 $0x100;
	s19 =	simm.s32 $0x80  }
0x5: {  	s20 =	simm.s32 $0x2900;
	s21 =	simm.s32 $0x1;
	s24 =	smul.u32 $0x2780, s2  }
0x6: {  	s22 =	simm.s32 $0x50;
	s23 =	simm.s32 $0x2;
	s11 =	smul.u32 $0x4F000, s2  }
0x7: {  	[smem:$0x7FF] =	sst s3;
	s4 =	sadd.s32 $0x226DA00, s7;
	s15 =	smul.u32 $0x4E20, s2  }
0x8: {  	s9 =	sand.u32 $0x1, s5;
	s5 =	sadd.s32 $0x274FA00, s7;
	s30 =	smul.u32 $0x4E200, s2  }
0x9: {  	s6 =	sadd.s32 $0xEA00, s7;
	s28 =	sshll.u32 s2, $0x6;
	s17 =	smul.u32 $0x9C4, s2  }
0xa: {  	_ =	strace $0x8000004A;
	s8 =	smul.u32 $0x27800, s9;
	s10 =	ssub.s32 $0x2, s9  }
0xb: {  	p0 =	seq.s32 s9, $0x1;
	s12 =	sadd.s32 s24, s7;
	s25 =	sshrl.u32 s10, $0x1  }
0xc: {  	s26 =	sshrl.u32 s11, $0x2;
	s29 =	sshrl.u32 s15, $0x3;
	s11 =	sadd.s32 s5, s30  }
0xd: {  	s31 =	sadd.s32 s17, s6;
	s17 =	simm.s32 $0x3;
	s13 =	sadd.s32 s8, s7  }
.Ltmp0:
0xe: {  	s14 =	ssub.s32 s10, s25;
	s16 =	sadd.s32 s26, s1;
	(pc) =	sbr.rel .LBB2_1-.Ltmp0, $4  }
0xf: {  	s7 =	sadd.s32 $0x18800, s12;
	s8 =	sor.u32 $0x1C03, s28;
	s9 =	sadd.s32 s6, s29  }
0x10: {  	s10 =	sadd.s32 s4, s30;
	s25 =	sadd.s32 $0x40000, s13;
	s12 =	smax.u32 s14, $0x1  }
0x11: {  	s13 =	sadd.s32 $0x4DD0, s15;
	s15 =	sadd.s32 $0x14, s31;
	s16 =	sshrl.u32 s16, $0x3  }
0x12: {  	s14 =	sshll.u32 s13, $0x4;
	s24 =	sadd.s32 s24, s25;
	s25 =	simm.s32 $0x0  }
.LBB2_7:
0x13: {  	s29 =	sadd.s32 $0xFFFFFFF6, s26;
	s28 =	sadd.s32 s28, s11;
	[sflag:s17] =	ssyncadd.s32 $0xFFFFD800  }
0x14: {  	[tilespmem:s19], [sflag:$0x2] =	stream.linear.gather [hbm4b:s29+s3], $0x50, $0x38;
	[tilespmem:$0x18D00] =	vst v63  }
0x15: {  	s30 =	sadd.s32 $0x500, s28  }
0x16: {  	[tilespmem:s20], [sflag:$0x2] =	stream.linear.gather [hbm4b:s30+s3], $0x2800, $0x38;
	[tilespmem:$0x18D00] =	vst v63  }
0x17: {  	_ =	swait.ge [sflag:s21], $0x50  }
0x18: {  	[sflag:s21] =	ssyncset.done $0x0  }
0x19: {  	[sflag:s21] =	ssyncadd.s32 $0xFFFFFFB0  }
0x1a: {  	_ =	swait.ge [sflag:s21], $0x2800  }
0x1b: {  	[sflag:s21] =	ssyncset.done $0x0  }
0x1c: {  	[sflag:s21] =	ssyncadd.s32 $0xFFFFD800  }
0x1d: {  	[spmem:s1] =	stream.indirect.scatter.add.f32 [tilespmem:s18], [sflag:$0x3], $0x80, s3, s22, $0xb8;
	[tilespmem:$0x18D00] =	vst v63  }
0x1e: {  	_ =	swait.ge [sflag:s17], $0x2800  }
0x1f: {  	[sflag:s17] =	ssyncset.done $0x0  }
0x20: {  	[sflag:s17] =	ssyncadd.s32 $0xFFFFD800  }
0x21: {  	[tilespmem:s3], [sflag:$0x1] =	stream.linear.gather [hbm4b:s26+s3], $0x50, $0x38;
	[tilespmem:$0x18D00] =	vst v63  }
0x22: {  	s31 =	sadd.s32 $0xA00, s28  }
0x23: {  	[tilespmem:s18], [sflag:$0x1] =	stream.linear.gather [hbm4b:s31+s3], $0x2800, $0x38;
	[tilespmem:$0x18D00] =	vst v63  }
0x24: {  	_ =	swait.ge [sflag:s23], $0x50  }
0x25: {  	[sflag:s23] =	ssyncset.done $0x0  }
0x26: {  	[sflag:s23] =	ssyncadd.s32 $0xFFFFFFB0  }
0x27: {  	_ =	swait.ge [sflag:s23], $0x2800  }
0x28: {  	[sflag:s23] =	ssyncset.done $0x0  }
0x29: {  	[sflag:s23] =	ssyncadd.s32 $0xFFFFD800  }
0x2a: {  	[spmem:s1] =	stream.indirect.scatter.add.f32 [tilespmem:s20], [sflag:$0x3], $0x80, s19, s22, $0xb8;
	[tilespmem:$0x18D00] =	vst v63  }
0x2b: {  	_ =	swait.ge [sflag:s17], $0x2800  }
0x2c: {  	[sflag:s17] =	ssyncset.done $0x0  }
0x2d: {  	s26 =	smov.u32 s5;
	[sflag:s17] =	ssyncadd.s32 $0xFFFFD800  }
.LBB2_8:
0x2e: {  	s28 =	sshrl.u32 s13, $0x3  }
0x2f: {  	s28 =	sadd.s32 s6, s28  }
0x30: {  	[tilespmem:s19], [sflag:$0x2] =	stream.linear.gather [hbm4b:s28+s3], $0x50, $0x38;
	[tilespmem:$0x18D00] =	vst v63  }
0x31: {  	s26 =	sadd.s32 s26, s14  }
0x32: {  	[tilespmem:s20], [sflag:$0x2] =	stream.linear.gather [hbm4b:s26+s3], $0x2800, $0x38;
	[tilespmem:$0x18D00] =	vst v63  }
0x33: {  	_ =	swait.ge [sflag:s21], $0x50  }
0x34: {  	[sflag:s21] =	ssyncset.done $0x0  }
0x35: {  	[sflag:s21] =	ssyncadd.s32 $0xFFFFFFB0  }
0x36: {  	_ =	swait.ge [sflag:s21], $0x2800  }
0x37: {  	[sflag:s21] =	ssyncset.done $0x0  }
0x38: {  	[sflag:s21] =	ssyncadd.s32 $0xFFFFD800  }
0x39: {  	[spmem:s1] =	stream.indirect.scatter.add.f32 [tilespmem:s18], [sflag:$0x3], $0x80, s3, s22, $0xb8;
	[tilespmem:$0x18D00] =	vst v63  }
0x3a: {  	_ =	swait.ge [sflag:s17], $0x2800  }
0x3b: {  	[sflag:s17] =	ssyncset.done $0x0  }
0x3c: {  	[sflag:s17] =	ssyncadd.s32 $0xFFFFD800  }
0x3d: {  	_ =	swait.ge [sflag:s23], $0x50  }
0x3e: {  	[sflag:s23] =	ssyncset.done $0x0  }
0x3f: {  	[sflag:s23] =	ssyncadd.s32 $0xFFFFFFB0  }
0x40: {  	_ =	swait.ge [sflag:s23], $0x2800  }
0x41: {  	[sflag:s23] =	ssyncset.done $0x0  }
0x42: {  	[sflag:s23] =	ssyncadd.s32 $0xFFFFD800  }
0x43: {  	[spmem:s1] =	stream.indirect.scatter.add.f32 [tilespmem:s20], [sflag:$0x3], $0x80, s19, s22, $0xb8;
	[tilespmem:$0x18D00] =	vst v63  }
0x44: {  	_ =	swait.ge [sflag:s17], $0x2800  }
0x45: {  	s25 =	sadd.s32 $0x1, s25;
	[sflag:s17] =	ssyncset.done $0x0  }
0x46: {  	p1 =	sne.s32 s25, s12;
	[sflag:s17] =	ssyncadd.s32 $0xFFFFD800  }
.Ltmp1:
0x47: {  	[bflag:$0x0] =	sbarrier.arrive $0xFFFF;
	(pc) =	sbr.rel @!p1 .LBB2_9-.Ltmp1, $4  }
0x48: {  	[hbm:s24], [sflag:s8] =	dma.local [spmem:s16], $0x2780  }
0x49: {  	_ =	swait.ge [sflag:s17], $0x2780  }
0x4a: {  	[sflag:s17] =	ssyncset.done $0x0  }
0x4b: {  	[sflag:s17] =	ssyncadd.s32 $0xFFFFD880  }
.LBB2_1:
0x4c: {  	[spmem:s16], [sflag:s8] =	dma.local [hbm:s7], $0x2780  }
.Ltmp2:
0x4d: {  	_ =	swait.ge [sflag:s17], $0x2780;
	(pc) =	sbr.rel @!p0 .LBB2_2-.Ltmp2, $4  }
0x4e: {  	[sflag:s17] =	ssyncset.done $0x0  }
0x4f: {  	[sflag:s17] =	ssyncadd.s32 $0xFFFFD880  }
0x50: {  	s26 =	simm.s32 $0x0;
	[bflag:$0x0] =	sbarrier.arrive $0xFFFF  }
0x51: {  	[tilespmem:s3], [sflag:$0x1] =	stream.linear.gather [hbm4b:s9+s3], $0x50, $0x38;
	[tilespmem:$0x18D00] =	vst v63  }
0x52: {  	[tilespmem:s18], [sflag:$0x1] =	stream.linear.gather [hbm4b:s11+s26], $0x2800, $0x38;
	[tilespmem:$0x18D00] =	vst v63  }
0x53: {  	s31 =	sadd.s32 $0xFFFFFFF6, s15;
	s28 =	sadd.s32 $0x0, s11  }
0x54: {  	[tilespmem:s19], [sflag:$0x2] =	stream.linear.gather [hbm4b:s31+s3], $0x50, $0x38;
	[tilespmem:$0x18D00] =	vst v63  }
0x55: {  	s30 =	sadd.s32 $0x500, s28  }
0x56: {  	[tilespmem:s20], [sflag:$0x2] =	stream.linear.gather [hbm4b:s30+s3], $0x2800, $0x38;
	[tilespmem:$0x18D00] =	vst v63  }
0x57: {  	_ =	swait.ge [sflag:s21], $0x50  }
0x58: {  	[sflag:s21] =	ssyncset.done $0x0  }
0x59: {  	[sflag:s21] =	ssyncadd.s32 $0xFFFFFFB0  }
0x5a: {  	_ =	swait.ge [sflag:s21], $0x2800  }
0x5b: {  	[sflag:s21] =	ssyncset.done $0x0  }
0x5c: {  	[sflag:s21] =	ssyncadd.s32 $0xFFFFD800  }
0x5d: {  	[spmem:s1] =	stream.indirect.scatter.add.f32 [tilespmem:s18], [sflag:$0x3], $0x80, s3, s22, $0xb8;
	[tilespmem:$0x18D00] =	vst v63  }
0x5e: {  	_ =	swait.ge [sflag:s17], $0x2800  }
0x5f: {  	[sflag:s17] =	ssyncset.done $0x0  }
0x60: {  	[sflag:s17] =	ssyncadd.s32 $0xFFFFD800  }
0x61: {  	[tilespmem:s3], [sflag:$0x1] =	stream.linear.gather [hbm4b:s15+s3], $0x50, $0x38;
	[tilespmem:$0x18D00] =	vst v63  }
0x62: {  	s31 =	sadd.s32 $0xA00, s28  }
0x63: {  	[tilespmem:s18], [sflag:$0x1] =	stream.linear.gather [hbm4b:s31+s3], $0x2800, $0x38;
	[tilespmem:$0x18D00] =	vst v63  }
0x64: {  	_ =	swait.ge [sflag:s23], $0x50  }
0x65: {  	[sflag:s23] =	ssyncset.done $0x0  }
0x66: {  	[sflag:s23] =	ssyncadd.s32 $0xFFFFFFB0  }
0x67: {  	_ =	swait.ge [sflag:s23], $0x2800  }
0x68: {  	[sflag:s23] =	ssyncset.done $0x0  }
0x69: {  	[sflag:s23] =	ssyncadd.s32 $0xFFFFD800  }
0x6a: {  	[spmem:s1] =	stream.indirect.scatter.add.f32 [tilespmem:s20], [sflag:$0x3], $0x80, s19, s22, $0xb8;
	[tilespmem:$0x18D00] =	vst v63  }
0x6b: {  	s29 =	simm.s32 $0x1400;
	_ =	swait.ge [sflag:s17], $0x2800  }
0x6c: {  	s26 =	sadd.s32 $0x14, s15;
	s28 =	simm.s32 $0xA00;
	[sflag:s17] =	ssyncset.done $0x0  }
.LBB2_6:
0x6d: {  	s30 =	sadd.s32 $0xFFFFFFF6, s26  }
0x6e: {  	s31 =	sadd.s32 s28, s11;
	[sflag:s17] =	ssyncadd.s32 $0xFFFFD800;
	s28 =	smov.u32 s29  }
0x6f: {  	[tilespmem:s19], [sflag:$0x2] =	stream.linear.gather [hbm4b:s30+s3], $0x50, $0x38;
	[tilespmem:$0x18D00] =	vst v63  }
0x70: {  	p1 =	sne.s32 s29, $0x4CE00;
	s29 =	sadd.s32 $0xA00, s29;
	s30 =	sadd.s32 $0x500, s31  }
0x71: {  	[tilespmem:s20], [sflag:$0x2] =	stream.linear.gather [hbm4b:s30+s3], $0x2800, $0x38;
	[tilespmem:$0x18D00] =	vst v63  }
0x72: {  	_ =	swait.ge [sflag:s21], $0x50  }
0x73: {  	[sflag:s21] =	ssyncset.done $0x0  }
0x74: {  	[sflag:s21] =	ssyncadd.s32 $0xFFFFFFB0  }
0x75: {  	_ =	swait.ge [sflag:s21], $0x2800  }
0x76: {  	[sflag:s21] =	ssyncset.done $0x0  }
0x77: {  	[sflag:s21] =	ssyncadd.s32 $0xFFFFD800  }
0x78: {  	[spmem:s1] =	stream.indirect.scatter.add.f32 [tilespmem:s18], [sflag:$0x3], $0x80, s3, s22, $0xb8;
	[tilespmem:$0x18D00] =	vst v63  }
0x79: {  	_ =	swait.ge [sflag:s17], $0x2800  }
0x7a: {  	[sflag:s17] =	ssyncset.done $0x0  }
0x7b: {  	[sflag:s17] =	ssyncadd.s32 $0xFFFFD800  }
0x7c: {  	[tilespmem:s3], [sflag:$0x1] =	stream.linear.gather [hbm4b:s26+s3], $0x50, $0x38;
	[tilespmem:$0x18D00] =	vst v63  }
0x7d: {  	s30 =	sadd.s32 $0xA00, s31  }
0x7e: {  	[tilespmem:s18], [sflag:$0x1] =	stream.linear.gather [hbm4b:s30+s3], $0x2800, $0x38;
	[tilespmem:$0x18D00] =	vst v63  }
0x7f: {  	_ =	swait.ge [sflag:s23], $0x50  }
0x80: {  	[sflag:s23] =	ssyncset.done $0x0  }
0x81: {  	[sflag:s23] =	ssyncadd.s32 $0xFFFFFFB0  }
0x82: {  	_ =	swait.ge [sflag:s23], $0x2800  }
.Ltmp3:
0x83: {  	[sflag:s23] =	ssyncset.done $0x0;
	(pc) =	sbr.rel @p1 .LBB2_6-.Ltmp3, $4  }
0x84: {  	[sflag:s23] =	ssyncadd.s32 $0xFFFFD800  }
0x85: {  	[spmem:s1] =	stream.indirect.scatter.add.f32 [tilespmem:s20], [sflag:$0x3], $0x80, s19, s22, $0xb8;
	[tilespmem:$0x18D00] =	vst v63  }
0x86: {  	_ =	swait.ge [sflag:s17], $0x2800  }
0x87: {  	s26 =	sadd.s32 $0x14, s26;
	[sflag:s17] =	ssyncset.done $0x0  }
.Ltmp4:
0x88: {  	_ = 	snop;
	(pc) =	sbr.rel .LBB2_7-.Ltmp4, $1  }
0x89: {  	_ =	sdelay $0x3  }
.LBB2_2:
0x8a: {  	[tilespmem:s18], [sflag:$0x1] =	stream.linear.gather [hbm4b:s10+s26], $0x2800, $0x38;
	[tilespmem:$0x18D00] =	vst v63  }
0x8b: {  	s31 =	sadd.s32 $0xFFFFFFF6, s15;
	s28 =	sadd.s32 $0x0, s10  }
0x8c: {  	[tilespmem:s19], [sflag:$0x2] =	stream.linear.gather [hbm4b:s31+s3], $0x50, $0x38;
	[tilespmem:$0x18D00] =	vst v63  }
0x8d: {  	s30 =	sadd.s32 $0x500, s28  }
0x8e: {  	[tilespmem:s20], [sflag:$0x2] =	stream.linear.gather [hbm4b:s30+s3], $0x2800, $0x38;
	[tilespmem:$0x18D00] =	vst v63  }
0x8f: {  	_ =	swait.ge [sflag:s21], $0x50  }
0x90: {  	[sflag:s21] =	ssyncset.done $0x0  }
0x91: {  	[sflag:s21] =	ssyncadd.s32 $0xFFFFFFB0  }
0x92: {  	_ =	swait.ge [sflag:s21], $0x2800  }
0x93: {  	[sflag:s21] =	ssyncset.done $0x0  }
0x94: {  	[sflag:s21] =	ssyncadd.s32 $0xFFFFD800  }
0x95: {  	[spmem:s1] =	stream.indirect.scatter.add.f32 [tilespmem:s18], [sflag:$0x3], $0x80, s3, s22, $0xb8;
	[tilespmem:$0x18D00] =	vst v63  }
0x96: {  	_ =	swait.ge [sflag:s17], $0x2800  }
0x97: {  	[sflag:s17] =	ssyncset.done $0x0  }
0x98: {  	[sflag:s17] =	ssyncadd.s32 $0xFFFFD800  }
0x99: {  	[tilespmem:s3], [sflag:$0x1] =	stream.linear.gather [hbm4b:s15+s3], $0x50, $0x38;
	[tilespmem:$0x18D00] =	vst v63  }
0x9a: {  	s31 =	sadd.s32 $0xA00, s28  }
0x9b: {  	[tilespmem:s18], [sflag:$0x1] =	stream.linear.gather [hbm4b:s31+s3], $0x2800, $0x38;
	[tilespmem:$0x18D00] =	vst v63  }
0x9c: {  	_ =	swait.ge [sflag:s23], $0x50  }
0x9d: {  	[sflag:s23] =	ssyncset.done $0x0  }
0x9e: {  	[sflag:s23] =	ssyncadd.s32 $0xFFFFFFB0  }
0x9f: {  	_ =	swait.ge [sflag:s23], $0x2800  }
0xa0: {  	[sflag:s23] =	ssyncset.done $0x0  }
0xa1: {  	[sflag:s23] =	ssyncadd.s32 $0xFFFFD800  }
0xa2: {  	[spmem:s1] =	stream.indirect.scatter.add.f32 [tilespmem:s20], [sflag:$0x3], $0x80, s19, s22, $0xb8;
	[tilespmem:$0x18D00] =	vst v63  }
0xa3: {  	s29 =	simm.s32 $0x1400;
	_ =	swait.ge [sflag:s17], $0x2800  }
0xa4: {  	s26 =	sadd.s32 $0x14, s15;
	s28 =	simm.s32 $0xA00;
	[sflag:s17] =	ssyncset.done $0x0  }
.LBB2_3:
0xa5: {  	s30 =	sadd.s32 $0xFFFFFFF6, s26  }
0xa6: {  	s31 =	sadd.s32 s28, s10;
	[sflag:s17] =	ssyncadd.s32 $0xFFFFD800;
	s28 =	smov.u32 s29  }
0xa7: {  	[tilespmem:s19], [sflag:$0x2] =	stream.linear.gather [hbm4b:s30+s3], $0x50, $0x38;
	[tilespmem:$0x18D00] =	vst v63  }
0xa8: {  	p1 =	seq.s32 s29, $0x4CE00;
	s29 =	sadd.s32 $0xA00, s29;
	s30 =	sadd.s32 $0x500, s31  }
0xa9: {  	[tilespmem:s20], [sflag:$0x2] =	stream.linear.gather [hbm4b:s30+s3], $0x2800, $0x38;
	[tilespmem:$0x18D00] =	vst v63  }
0xaa: {  	_ =	swait.ge [sflag:s21], $0x50  }
0xab: {  	[sflag:s21] =	ssyncset.done $0x0  }
0xac: {  	[sflag:s21] =	ssyncadd.s32 $0xFFFFFFB0  }
0xad: {  	_ =	swait.ge [sflag:s21], $0x2800  }
0xae: {  	[sflag:s21] =	ssyncset.done $0x0  }
0xaf: {  	[sflag:s21] =	ssyncadd.s32 $0xFFFFD800  }
0xb0: {  	[spmem:s1] =	stream.indirect.scatter.add.f32 [tilespmem:s18], [sflag:$0x3], $0x80, s3, s22, $0xb8;
	[tilespmem:$0x18D00] =	vst v63  }
0xb1: {  	_ =	swait.ge [sflag:s17], $0x2800  }
0xb2: {  	[sflag:s17] =	ssyncset.done $0x0  }
0xb3: {  	[sflag:s17] =	ssyncadd.s32 $0xFFFFD800  }
0xb4: {  	[tilespmem:s3], [sflag:$0x1] =	stream.linear.gather [hbm4b:s26+s3], $0x50, $0x38;
	[tilespmem:$0x18D00] =	vst v63  }
0xb5: {  	s30 =	sadd.s32 $0xA00, s31  }
0xb6: {  	[tilespmem:s18], [sflag:$0x1] =	stream.linear.gather [hbm4b:s30+s3], $0x2800, $0x38;
	[tilespmem:$0x18D00] =	vst v63  }
0xb7: {  	_ =	swait.ge [sflag:s23], $0x50  }
0xb8: {  	[sflag:s23] =	ssyncset.done $0x0  }
0xb9: {  	[sflag:s23] =	ssyncadd.s32 $0xFFFFFFB0  }
0xba: {  	_ =	swait.ge [sflag:s23], $0x2800  }
.Ltmp5:
0xbb: {  	[sflag:s23] =	ssyncset.done $0x0;
	(pc) =	sbr.rel @!p1 .LBB2_3-.Ltmp5, $4  }
0xbc: {  	[sflag:s23] =	ssyncadd.s32 $0xFFFFD800  }
0xbd: {  	[spmem:s1] =	stream.indirect.scatter.add.f32 [tilespmem:s20], [sflag:$0x3], $0x80, s19, s22, $0xb8;
	[tilespmem:$0x18D00] =	vst v63  }
0xbe: {  	_ =	swait.ge [sflag:s17], $0x2800  }
0xbf: {  	s26 =	sadd.s32 $0x14, s26;
	[sflag:s17] =	ssyncset.done $0x0  }
0xc0: {  	s29 =	sadd.s32 $0xFFFFFFF6, s26;
	s28 =	sadd.s32 s28, s10;
	[sflag:s17] =	ssyncadd.s32 $0xFFFFD800  }
0xc1: {  	[tilespmem:s19], [sflag:$0x2] =	stream.linear.gather [hbm4b:s29+s3], $0x50, $0x38;
	[tilespmem:$0x18D00] =	vst v63  }
0xc2: {  	s30 =	sadd.s32 $0x500, s28  }
0xc3: {  	[tilespmem:s20], [sflag:$0x2] =	stream.linear.gather [hbm4b:s30+s3], $0x2800, $0x38;
	[tilespmem:$0x18D00] =	vst v63  }
0xc4: {  	_ =	swait.ge [sflag:s21], $0x50  }
0xc5: {  	[sflag:s21] =	ssyncset.done $0x0  }
0xc6: {  	[sflag:s21] =	ssyncadd.s32 $0xFFFFFFB0  }
0xc7: {  	_ =	swait.ge [sflag:s21], $0x2800  }
0xc8: {  	[sflag:s21] =	ssyncset.done $0x0  }
0xc9: {  	[sflag:s21] =	ssyncadd.s32 $0xFFFFD800  }
0xca: {  	[spmem:s1] =	stream.indirect.scatter.add.f32 [tilespmem:s18], [sflag:$0x3], $0x80, s3, s22, $0xb8;
	[tilespmem:$0x18D00] =	vst v63  }
0xcb: {  	_ =	swait.ge [sflag:s17], $0x2800  }
0xcc: {  	[sflag:s17] =	ssyncset.done $0x0  }
0xcd: {  	[sflag:s17] =	ssyncadd.s32 $0xFFFFD800  }
0xce: {  	[tilespmem:s3], [sflag:$0x1] =	stream.linear.gather [hbm4b:s26+s3], $0x50, $0x38;
	[tilespmem:$0x18D00] =	vst v63  }
0xcf: {  	s31 =	sadd.s32 $0xA00, s28  }
0xd0: {  	[tilespmem:s18], [sflag:$0x1] =	stream.linear.gather [hbm4b:s31+s3], $0x2800, $0x38;
	[tilespmem:$0x18D00] =	vst v63  }
0xd1: {  	_ =	swait.ge [sflag:s23], $0x50  }
0xd2: {  	[sflag:s23] =	ssyncset.done $0x0  }
0xd3: {  	[sflag:s23] =	ssyncadd.s32 $0xFFFFFFB0  }
0xd4: {  	_ =	swait.ge [sflag:s23], $0x2800  }
0xd5: {  	[sflag:s23] =	ssyncset.done $0x0  }
.Ltmp6:
0xd6: {  	[sflag:s23] =	ssyncadd.s32 $0xFFFFD800;
	(pc) =	sbr.rel .LBB2_8-.Ltmp6, $4  }
0xd7: {  	[spmem:s1] =	stream.indirect.scatter.add.f32 [tilespmem:s20], [sflag:$0x3], $0x80, s19, s22, $0xb8;
	[tilespmem:$0x18D00] =	vst v63  }
0xd8: {  	_ =	swait.ge [sflag:s17], $0x2800  }
0xd9: {  	[sflag:s17] =	ssyncset.done $0x0  }
0xda: {  	s26 =	smov.u32 s4;
	[sflag:s17] =	ssyncadd.s32 $0xFFFFD800  }
.LBB2_9:
0xdb: {  	_ =	sfence.sel $0x180000  }
0xdc: {  	[bflag:$0x0] =	sbarrier.arrive $0xFFFF  }
0xdd: {  	p0 =	sne.s32 s2, $0x0;
	_ =	strace $0x9000004A  }
0xde: {  	s0 =	sadd.s32 @!p0 $0x100000, s0;
	[bflag:$0x2] =	sbarrier.arrive $0xFFFF  }
0xdf: {  	[sflag:s0] =	ssyncadd.tile.s32 @!p0 $0x1;
	_ =	shalt  }
.Lfunc_end2:
_tile_overlayer_lowered:
.L_overlay_start_2:
0xe0: {  	(tag) =	ssettag $0x2  }
0xe1: {  	s0 =	rddreg [dreg:$0x0];
	s2 =	stileid.u32  }
0xe2: {  	s1 =	rddreg [dreg:$0x1];
	p0 =	sne.s32 s2, $0x0  }
0xe3: {  	s3 =	rddreg [dreg:$0x2];
	[bflag:$0x3] =	sbarrier.arrive $0xFFFF;
	s2 =	simm.s32 @!p0 $0x1C03  }
0xe4: {  	[timem:s3], [sflag:s2] =	dma.local @!p0 [hbm:s0], s1  }
0xe5: {  	s0 =	simm.s32 @!p0 $0x3  }
0xe6: {  	_ =	swait.ge @!p0 [sflag:s0], s1  }
0xe7: {  	s1 =	ssub.s32 @!p0 $0x0, s1;
	[sflag:s0] =	ssyncset.done @!p0 $0x0  }
0xe8: {  	[sflag:s0] =	ssyncadd.s32 @!p0 s1  }
0xe9: {  	[bflag:$0x3] =	sbarrier.arrive $0xFFFF  }
0xea: {  	_ =	shalt  }

</sc_bundles>
